<compile_context>
chip_gen: v7x
topology: tpu7x:2x2x1
jax: 0.10.2.dev20260603
libtpu: 0.0.44.dev20260713+nightly
codegen_flags: <defaults>
</compile_context>

<pallas_src>
import functools

import jax
import jax.numpy as jnp
from jax import lax
from jax.experimental import pallas as pl
from jax.experimental.pallas import tpu as pltpu
from jax.experimental.pallas import tpu_sc as plsc

BATCH = 4096
SEQ_LEN = 200
EMBED_DIM = 64
PADDED_DIM = 128

TOT = BATCH * SEQ_LEN
IDX_MINOR = 128
IDX_ROWS = TOT // IDX_MINOR

NUM_WORKERS = 32
ROWS_PER_W = IDX_ROWS // NUM_WORKERS
NB = 8
SUB = 4
G = ROWS_PER_W // NB

_mesh = plsc.VectorSubcoreMesh(core_axis_name="c", subcore_axis_name="s")


ST = 2
NSTAGE = ROWS_PER_W // ST
NITER = NSTAGE // 2


@functools.partial(
    pl.kernel,
    mesh=_mesh,
    out_type=jax.ShapeDtypeStruct((IDX_ROWS, IDX_MINOR, PADDED_DIM), jnp.float32),
    scratch_types=[
        pltpu.VMEM((2, NB, IDX_MINOR), jnp.int32),
        pltpu.VMEM((2, ST, IDX_MINOR, PADDED_DIM), jnp.float32),
        pltpu.SemaphoreType.DMA,
        pltpu.SemaphoreType.DMA,
        pltpu.SemaphoreType.DMA,
        pltpu.SemaphoreType.DMA,
    ],
)
def _sc_gather(idx_hbm, table_hbm, out_hbm, idx_v, rows_v, sg0, sg1, ss0, ss1):
    wid = lax.axis_index("s") * 2 + lax.axis_index("c")
    row0 = wid * ROWS_PER_W
    sem_g = (sg0, sg1)
    sem_st = (ss0, ss1)

    def load_idx_chunk(c):
        pltpu.sync_copy(idx_hbm.at[pl.ds(row0 + c * NB, NB), :], idx_v.at[c & 1])

    def fire_stage(s, b):
        c = s // (NB // ST)
        for j in range(ST):
            pltpu.async_copy(
                table_hbm.at[idx_v.at[c & 1, (s * ST) % NB + j]],
                rows_v.at[b].at[j],
                sem_g[b],
            )

    def drain_gathers(b):
        pltpu.make_async_copy(
            out_hbm.at[pl.ds(0, ST)], rows_v.at[b], sem_g[b]
        ).wait()

    def store_stage(s, b):
        pltpu.async_copy(
            rows_v.at[b], out_hbm.at[pl.ds(row0 + s * ST, ST)], sem_st[b]
        )

    def drain_store(b):
        pltpu.make_async_copy(
            out_hbm.at[pl.ds(0, ST)], rows_v.at[b], sem_st[b]
        ).wait()

    load_idx_chunk(0)
    fire_stage(0, 0)

    def body(i, _):
        s0 = 2 * i

        @pl.when(i > 0)
        def _():
            drain_store(1)

        fire_stage(s0 + 1, 1)
        drain_gathers(0)
        store_stage(s0, 0)

        @pl.when(((i % 2) == 1) & (i < NITER - 1))
        def _():
            load_idx_chunk((i + 1) // 2)

        @pl.when(i < NITER - 1)
        def _():
            drain_store(0)
            fire_stage(s0 + 2, 0)

        drain_gathers(1)
        store_stage(s0 + 1, 1)
        return 0

    lax.fori_loop(0, NITER, body, 0)
    drain_store(0)
    drain_store(1)


def _mask_body(idx_ref, mask_ref):
    mask_ref[...] = (idx_ref[...] != 0).astype(jnp.int32)


_mask_call = pl.pallas_call(
    _mask_body,
    out_shape=jax.ShapeDtypeStruct((BATCH, SEQ_LEN), jnp.int32),
)

VOCAB = 1000000
VOCAB_PAD = 1000064
TBLK = 16384


def _xpose_body(src_ref, dst_ref):
    xt = src_ref[...].T
    dst_ref[...] = jnp.concatenate(
        [xt, jnp.zeros((TBLK, PADDED_DIM - EMBED_DIM), jnp.float32)], axis=1
    )


_xpose_call = pl.pallas_call(
    _xpose_body,
    grid=((VOCAB + TBLK - 1) // TBLK,),
    in_specs=[pl.BlockSpec((EMBED_DIM, TBLK), lambda i: (0, i))],
    out_specs=pl.BlockSpec((TBLK, PADDED_DIM), lambda i: (i, 0)),
    out_shape=jax.ShapeDtypeStruct((VOCAB_PAD, PADDED_DIM), jnp.float32),
)


def kernel(indices, table):
    table_p = _xpose_call(table.T)
    idx2d = indices.reshape(IDX_ROWS, IDX_MINOR)
    rows = _sc_gather(idx2d, table_p)
    outputs = rows[:, :, :EMBED_DIM].reshape(BATCH, SEQ_LEN, EMBED_DIM)
    mask = _mask_call(indices)
    return outputs, mask

# --- scband reference (transcript-rebuilt; emitter-appended) ---
"""Pipeline reference for scband-token-embedder-532575945013 (READ-ONLY COPY).

The authoritative reference and input builder live on the scoring server;
editing this copy changes nothing except your own understanding.
"""

import jax, jax.numpy as jnp
import numpy as np

VOCAB = 1000000
EMBED_DIM = 64
BATCH = 4096
SEQ_LEN = 200

def setup_inputs(seed: int = 0) -> dict:
    key = jax.random.key(seed)
    k_idx, k_tab = jax.random.split(key)
    indices = jax.random.randint(k_idx, (BATCH, SEQ_LEN), 0, VOCAB, dtype=jnp.int64 if jax.config.jax_enable_x64 else jnp.int32)
    table = jax.random.normal(k_tab, (VOCAB, EMBED_DIM), dtype=jnp.float32)
    # row 0 is the <pad> vector (zeros), matching the torch module
    table = table.at[0].set(0.0)
    return {"indices": indices, "table": table}

def reference(indices, table):
    # Faithful translation of TokenEmbedder.forward: the string->index
    # preprocessing (convert_word / word_to_index lookup) is host-side
    # python that produces the `encs` index tensor; we start from the
    # resulting indices. The device computation is an embedding gather
    # plus a padding mask.
    outputs = jnp.take(table, indices, axis=0)  # [B, L, D] embedding lookup
    mask = (indices != 0).astype(jnp.int32)     # [B, L] pad mask (pad index = 0)
    return outputs, mask

if __name__ == "__main__":
    import jax
    _d = setup_inputs()
    print(jax.jit(kernel)(*tuple(_d.values())))

</pallas_src>

<mosaic_0001>
#map = affine_map<(d0, d1) -> (0, 0)>
#map1 = affine_map<(d0, d1) -> (0, 0, 0)>
module attributes {stable_mosaic.version = 14 : i64} {
  func.func @_sc_gather(%arg0: i32, %arg1: i32, %arg2: memref<6400x128xi32, #tpu.memory_space<hbm>>, %arg3: memref<1000064x128xf32, #tpu.memory_space<hbm>>, %arg4: memref<6400x128x128xf32, #tpu.memory_space<hbm>>, %arg5: memref<2x8x128xi32, #tpu.memory_space<vmem>>, %arg6: memref<2x2x128x128xf32, #tpu.memory_space<vmem>>, %arg7: memref<!tpu.dma_semaphore, #tpu.memory_space<semaphore_mem>>, %arg8: memref<!tpu.dma_semaphore, #tpu.memory_space<semaphore_mem>>, %arg9: memref<!tpu.dma_semaphore, #tpu.memory_space<semaphore_mem>>, %arg10: memref<!tpu.dma_semaphore, #tpu.memory_space<semaphore_mem>>) attributes {dimension_semantics = [#tpu.dimension_semantics<core_parallel>, #tpu.dimension_semantics<subcore_parallel>], iteration_bounds = array<i64: 2, 16>, scalar_prefetch = 0 : i64, scratch_operands = 6 : i64, tpu.core_type = #tpu.core_type<sc_vector_subcore>, window_params = [{transform_indices = #map}, {transform_indices = #map}, {transform_indices = #map1}]} {
    %mul3A = arith.constant 2 : i32
    %mul3A_0 = arith.muli %arg1, %mul3A : i32
    %add3A = arith.addi %mul3A_0, %arg0 : i32
    %mul3A_1 = arith.constant 200 : i32
    %mul3A_2 = arith.muli %add3A, %mul3A_1 : i32
    %add3A_3 = arith.constant 0 : i32
    %add3A_4 = arith.addi %mul3A_2, %add3A_3 : i32
    %run_scoped3A = arith.constant 0 : i32
    "tpu.region"() ({
      %run_scoped3A_85 = tpu.sem_alloc : memref<!tpu.dma_semaphore, #tpu.memory_space<semaphore_mem>>
      %dma_start3A_86 = arith.constant 0 : i32
      %dma_start3A_87 = arith.constant 0 : i32
      %dma_start3A_88 = tpu.memref_slice %arg5[%run_scoped3A, %dma_start3A_86, %dma_start3A_87] : memref<2x8x128xi32, #tpu.memory_space<vmem>> -> memref<1x8x128xi32, #tpu.memory_space<vmem>>
      %dma_start3A_89 = tpu.memref_squeeze %dma_start3A_88 : memref<1x8x128xi32, #tpu.memory_space<vmem>> -> memref<8x128xi32, #tpu.memory_space<vmem>>
      %dma_start3A_90 = arith.constant 0 : i32
      %dma_start3A_91 = tpu.memref_slice %arg2[%add3A_4, %dma_start3A_90] : memref<6400x128xi32, #tpu.memory_space<hbm>> -> memref<8x128xi32, #tpu.memory_space<hbm>>
      %dma_start3A_92 = arith.constant 0 : i32
      %dma_start3A_93 = arith.constant 0 : i32
      %dma_start3A_94 = tpu.memref_slice %arg5[%run_scoped3A, %dma_start3A_92, %dma_start3A_93] : memref<2x8x128xi32, #tpu.memory_space<vmem>> -> memref<1x8x128xi32, #tpu.memory_space<vmem>>
      %dma_start3A_95 = tpu.memref_squeeze %dma_start3A_94 : memref<1x8x128xi32, #tpu.memory_space<vmem>> -> memref<8x128xi32, #tpu.memory_space<vmem>>
      %dma_start3A_96 = arith.constant 0 : i32
      %dma_start3A_97 = tpu.memref_slice %arg2[%add3A_4, %dma_start3A_96] : memref<6400x128xi32, #tpu.memory_space<hbm>> -> memref<8x128xi32, #tpu.memory_space<hbm>>
      tpu.enqueue_dma source(%dma_start3A_97 : memref<8x128xi32, #tpu.memory_space<hbm>>) target(%dma_start3A_95 : memref<8x128xi32, #tpu.memory_space<vmem>>) target_semaphore(%run_scoped3A_85 : memref<!tpu.dma_semaphore, #tpu.memory_space<semaphore_mem>>)
      %dma_wait3A_98 = arith.constant 0 : i32
      %dma_wait3A_99 = arith.constant 0 : i32
      %dma_wait3A_100 = tpu.memref_slice %arg5[%run_scoped3A, %dma_wait3A_98, %dma_wait3A_99] : memref<2x8x128xi32, #tpu.memory_space<vmem>> -> memref<1x8x128xi32, #tpu.memory_space<vmem>>
      %dma_wait3A_101 = tpu.memref_squeeze %dma_wait3A_100 : memref<1x8x128xi32, #tpu.memory_space<vmem>> -> memref<8x128xi32, #tpu.memory_space<vmem>>
      %dma_wait3A_102 = arith.constant 0 : i32
      %dma_wait3A_103 = tpu.memref_slice %arg2[%add3A_4, %dma_wait3A_102] : memref<6400x128xi32, #tpu.memory_space<hbm>> -> memref<8x128xi32, #tpu.memory_space<hbm>>
      %dma_wait3A_104 = arith.constant 0 : i32
      %dma_wait3A_105 = arith.constant 0 : i32
      %dma_wait3A_106 = tpu.memref_slice %arg5[%run_scoped3A, %dma_wait3A_104, %dma_wait3A_105] : memref<2x8x128xi32, #tpu.memory_space<vmem>> -> memref<1x8x128xi32, #tpu.memory_space<vmem>>
      %dma_wait3A_107 = tpu.memref_squeeze %dma_wait3A_106 : memref<1x8x128xi32, #tpu.memory_space<vmem>> -> memref<8x128xi32, #tpu.memory_space<vmem>>
      %dma_wait3A_108 = arith.constant 0 : i32
      %dma_wait3A_109 = tpu.memref_slice %arg2[%add3A_4, %dma_wait3A_108] : memref<6400x128xi32, #tpu.memory_space<hbm>> -> memref<8x128xi32, #tpu.memory_space<hbm>>
      tpu.wait_dma2 semaphore(%run_scoped3A_85 : memref<!tpu.dma_semaphore, #tpu.memory_space<semaphore_mem>>) src(%dma_wait3A_109 : memref<8x128xi32, #tpu.memory_space<hbm>>) dst(%dma_wait3A_107 : memref<8x128xi32, #tpu.memory_space<vmem>>)
      tpu.yield
    }) : () -> ()
    %dma_start3A = arith.constant 0 : i32
    %dma_start3A_5 = arith.constant 0 : i32
    %dma_start3A_6 = arith.constant 0 : i32
    %dma_start3A_7 = arith.constant 0 : i32
    %dma_start3A_8 = arith.constant 0 : i32
    %dma_start3A_9 = arith.constant 0 : i32
    %dma_start3A_10 = arith.constant 0 : i32
    %dma_start3A_11 = tpu.memref_slice %arg6[%dma_start3A_6, %dma_start3A_8, %dma_start3A_9, %dma_start3A_10] : memref<2x2x128x128xf32, #tpu.memory_space<vmem>> -> memref<1x2x128x128xf32, #tpu.memory_space<vmem>>
    %dma_start3A_12 = tpu.memref_squeeze %dma_start3A_11 : memref<1x2x128x128xf32, #tpu.memory_space<vmem>> -> memref<2x128x128xf32, #tpu.memory_space<vmem>>
    %dma_start3A_13 = arith.constant 0 : i32
    %dma_start3A_14 = arith.constant 0 : i32
    %dma_start3A_15 = tpu.memref_slice %dma_start3A_12[%dma_start3A_7, %dma_start3A_13, %dma_start3A_14] : memref<2x128x128xf32, #tpu.memory_space<vmem>> -> memref<1x128x128xf32, #tpu.memory_space<vmem>>
    %dma_start3A_16 = tpu.memref_squeeze %dma_start3A_15 : memref<1x128x128xf32, #tpu.memory_space<vmem>> -> memref<128x128xf32, #tpu.memory_space<vmem>>
    %dma_start3A_17 = arith.constant 0 : i32
    %dma_start3A_18 = tpu.memref_slice %arg5[%dma_start3A, %dma_start3A_5, %dma_start3A_17] : memref<2x8x128xi32, #tpu.memory_space<vmem>> -> memref<1x1x128xi32, #tpu.memory_space<vmem>>
    %dma_start3A_19 = tpu.memref_squeeze %dma_start3A_18 : memref<1x1x128xi32, #tpu.memory_space<vmem>> -> memref<128xi32, #tpu.memory_space<vmem>>
    %dma_start3A_20 = arith.constant 0 : i32
    %dma_start3A_21 = arith.constant 0 : i32
    %dma_start3A_22 = tpu.memref_slice %arg3[%dma_start3A_20, %dma_start3A_21] : memref<1000064x128xf32, #tpu.memory_space<hbm>> -> memref<1000064x128xf32, #tpu.memory_space<hbm>>
    tpu.enqueue_indirect_dma source(%dma_start3A_22 : memref<1000064x128xf32, #tpu.memory_space<hbm>>) target(%dma_start3A_16 : memref<128x128xf32, #tpu.memory_space<vmem>>) offsets(%dma_start3A_19 : memref<128xi32, #tpu.memory_space<vmem>>) semaphore(%arg7 : memref<!tpu.dma_semaphore, #tpu.memory_space<semaphore_mem>>)
    %dma_start3A_23 = arith.constant 0 : i32
    %dma_start3A_24 = arith.constant 1 : i32
    %dma_start3A_25 = arith.constant 0 : i32
    %dma_start3A_26 = arith.constant 1 : i32
    %dma_start3A_27 = arith.constant 0 : i32
    %dma_start3A_28 = arith.constant 0 : i32
    %dma_start3A_29 = arith.constant 0 : i32
    %dma_start3A_30 = tpu.memref_slice %arg6[%dma_start3A_25, %dma_start3A_27, %dma_start3A_28, %dma_start3A_29] : memref<2x2x128x128xf32, #tpu.memory_space<vmem>> -> memref<1x2x128x128xf32, #tpu.memory_space<vmem>>
    %dma_start3A_31 = tpu.memref_squeeze %dma_start3A_30 : memref<1x2x128x128xf32, #tpu.memory_space<vmem>> -> memref<2x128x128xf32, #tpu.memory_space<vmem>>
    %dma_start3A_32 = arith.constant 0 : i32
    %dma_start3A_33 = arith.constant 0 : i32
    %dma_start3A_34 = tpu.memref_slice %dma_start3A_31[%dma_start3A_26, %dma_start3A_32, %dma_start3A_33] : memref<2x128x128xf32, #tpu.memory_space<vmem>> -> memref<1x128x128xf32, #tpu.memory_space<vmem>>
    %dma_start3A_35 = tpu.memref_squeeze %dma_start3A_34 : memref<1x128x128xf32, #tpu.memory_space<vmem>> -> memref<128x128xf32, #tpu.memory_space<vmem>>
    %dma_start3A_36 = arith.constant 0 : i32
    %dma_start3A_37 = tpu.memref_slice %arg5[%dma_start3A_23, %dma_start3A_24, %dma_start3A_36] : memref<2x8x128xi32, #tpu.memory_space<vmem>> -> memref<1x1x128xi32, #tpu.memory_space<vmem>>
    %dma_start3A_38 = tpu.memref_squeeze %dma_start3A_37 : memref<1x1x128xi32, #tpu.memory_space<vmem>> -> memref<128xi32, #tpu.memory_space<vmem>>
    %dma_start3A_39 = arith.constant 0 : i32
    %dma_start3A_40 = arith.constant 0 : i32
    %dma_start3A_41 = tpu.memref_slice %arg3[%dma_start3A_39, %dma_start3A_40] : memref<1000064x128xf32, #tpu.memory_space<hbm>> -> memref<1000064x128xf32, #tpu.memory_space<hbm>>
    tpu.enqueue_indirect_dma source(%dma_start3A_41 : memref<1000064x128xf32, #tpu.memory_space<hbm>>) target(%dma_start3A_35 : memref<128x128xf32, #tpu.memory_space<vmem>>) offsets(%dma_start3A_38 : memref<128xi32, #tpu.memory_space<vmem>>) semaphore(%arg7 : memref<!tpu.dma_semaphore, #tpu.memory_space<semaphore_mem>>)
    %scan3A = arith.constant 0 : i32
    %scan3A_42 = arith.constant 0 : i32
    %scan3A_43 = arith.constant 50 : i32
    %scan3A_44 = arith.addi %scan3A_42, %scan3A_43 : i32
    %scan3A_45 = arith.constant 1 : i32
    %scan3A_46 = scf.for %scan3A_85 = %scan3A_42 to %scan3A_44 step %scan3A_45 iter_args(%scan3A_86 = %scan3A) -> (i32)  : i32 {
      %mul3A_87 = arith.constant 2 : i32
      %mul3A_88 = arith.muli %mul3A_87, %scan3A_85 : i32
      %gt3A = arith.constant 0 : i32
      %gt3A_89 = arith.cmpi sgt, %scan3A_85, %gt3A : i32
      %convert_element_type3A = arith.extui %gt3A_89 : i1 to i32
      %cond3A = arith.constant 0 : i32
      %cond3A_90 = arith.cmpi ne, %convert_element_type3A, %cond3A : i32
      scf.if %cond3A_90 {
        %dma_wait3A_295 = arith.constant 1 : i32
        %dma_wait3A_296 = arith.constant 0 : i32
        %dma_wait3A_297 = arith.constant 0 : i32
        %dma_wait3A_298 = arith.constant 0 : i32
        %dma_wait3A_299 = tpu.memref_slice %arg6[%dma_wait3A_295, %dma_wait3A_296, %dma_wait3A_297, %dma_wait3A_298] : memref<2x2x128x128xf32, #tpu.memory_space<vmem>> -> memref<1x2x128x128xf32, #tpu.memory_space<vmem>>
        %dma_wait3A_300 = tpu.memref_squeeze %dma_wait3A_299 : memref<1x2x128x128xf32, #tpu.memory_space<vmem>> -> memref<2x128x128xf32, #tpu.memory_space<vmem>>
        %dma_wait3A_301 = arith.constant 0 : i32
        %dma_wait3A_302 = arith.constant 0 : i32
        %dma_wait3A_303 = arith.constant 0 : i32
        %dma_wait3A_304 = tpu.memref_slice %arg4[%dma_wait3A_301, %dma_wait3A_302, %dma_wait3A_303] : memref<6400x128x128xf32, #tpu.memory_space<hbm>> -> memref<2x128x128xf32, #tpu.memory_space<hbm>>
        %dma_wait3A_305 = arith.constant 0 : i32
        %dma_wait3A_306 = arith.constant 0 : i32
        %dma_wait3A_307 = arith.constant 0 : i32
        %dma_wait3A_308 = tpu.memref_slice %arg6[%dma_wait3A_295, %dma_wait3A_305, %dma_wait3A_306, %dma_wait3A_307] : memref<2x2x128x128xf32, #tpu.memory_space<vmem>> -> memref<1x2x128x128xf32, #tpu.memory_space<vmem>>
        %dma_wait3A_309 = tpu.memref_squeeze %dma_wait3A_308 : memref<1x2x128x128xf32, #tpu.memory_space<vmem>> -> memref<2x128x128xf32, #tpu.memory_space<vmem>>
        %dma_wait3A_310 = arith.constant 0 : i32
        %dma_wait3A_311 = arith.constant 0 : i32
        %dma_wait3A_312 = arith.constant 0 : i32
        %dma_wait3A_313 = tpu.memref_slice %arg4[%dma_wait3A_310, %dma_wait3A_311, %dma_wait3A_312] : memref<6400x128x128xf32, #tpu.memory_space<hbm>> -> memref<2x128x128xf32, #tpu.memory_space<hbm>>
        tpu.wait_dma2 semaphore(%arg10 : memref<!tpu.dma_semaphore, #tpu.memory_space<semaphore_mem>>) src(%dma_wait3A_313 : memref<2x128x128xf32, #tpu.memory_space<hbm>>) dst(%dma_wait3A_309 : memref<2x128x128xf32, #tpu.memory_space<vmem>>)
      } else {
      }
      %add3A_91 = arith.constant 1 : i32
      %add3A_92 = arith.addi %mul3A_88, %add3A_91 : i32
      %jit3A = arith.constant 4 : i32
      %div3A = arith.divsi %add3A_92, %jit3A : i32
      %sign3A = arith.constant 0 : i32
      %sign3A_93 = arith.cmpi sgt, %add3A_92, %sign3A : i32
      %sign3A_94 = arith.extui %sign3A_93 : i1 to i32
      %sign3A_95 = arith.constant 0 : i32
      %sign3A_96 = arith.cmpi slt, %add3A_92, %sign3A_95 : i32
      %sign3A_97 = arith.extui %sign3A_96 : i1 to i32
      %sign3A_98 = arith.subi %sign3A_94, %sign3A_97 : i32
      %sign3A_99 = arith.constant 0 : i32
      %sign3A_100 = arith.cmpi sgt, %jit3A, %sign3A_99 : i32
      %sign3A_101 = arith.extui %sign3A_100 : i1 to i32
      %sign3A_102 = arith.constant 0 : i32
      %sign3A_103 = arith.cmpi slt, %jit3A, %sign3A_102 : i32
      %sign3A_104 = arith.extui %sign3A_103 : i1 to i32
      %sign3A_105 = arith.subi %sign3A_101, %sign3A_104 : i32
      %ne3A = arith.cmpi ne, %sign3A_98, %sign3A_105 : i32
      %rem3A = arith.remsi %add3A_92, %jit3A : i32
      %ne3A_106 = arith.constant 0 : i32
      %ne3A_107 = arith.cmpi ne, %rem3A, %ne3A_106 : i32
      %and3A = arith.andi %ne3A, %ne3A_107 : i1
      %sub3A = arith.constant 1 : i32
      %sub3A_108 = arith.subi %div3A, %sub3A : i32
      %select_n3A = arith.select %and3A, %sub3A_108, %div3A : i32
      %and3A_109 = arith.constant 1 : i32
      %and3A_110 = arith.andi %select_n3A, %and3A_109 : i32
      %mul3A_111 = arith.constant 2 : i32
      %mul3A_112 = arith.muli %add3A_92, %mul3A_111 : i32
      %jit3A_113 = arith.constant 8 : i32
      %eq3A = arith.constant 0 : i32
      %eq3A_114 = arith.cmpi eq, %jit3A_113, %eq3A : i32
      %jit3A_115 = arith.constant 1 : i32
      %select_n3A_116 = arith.select %eq3A_114, %jit3A_115, %jit3A_113 : i32
      %rem3A_117 = arith.remsi %mul3A_112, %select_n3A_116 : i32
      %ne3A_118 = arith.constant 0 : i32
      %ne3A_119 = arith.cmpi ne, %rem3A_117, %ne3A_118 : i32
      %lt3A = arith.constant 0 : i32
      %lt3A_120 = arith.cmpi slt, %rem3A_117, %lt3A : i32
      %lt3A_121 = arith.constant 0 : i32
      %lt3A_122 = arith.cmpi slt, %select_n3A_116, %lt3A_121 : i32
      %ne3A_123 = arith.xori %lt3A_120, %lt3A_122 : i1
      %and3A_124 = arith.andi %ne3A_123, %ne3A_119 : i1
      %add3A_125 = arith.addi %rem3A_117, %select_n3A_116 : i32
      %select_n3A_126 = arith.select %and3A_124, %add3A_125, %rem3A_117 : i32
      %add3A_127 = arith.constant 0 : i32
      %add3A_128 = arith.addi %select_n3A_126, %add3A_127 : i32
      %dma_start3A_129 = arith.constant 1 : i32
      %dma_start3A_130 = arith.constant 0 : i32
      %dma_start3A_131 = arith.constant 0 : i32
      %dma_start3A_132 = arith.constant 0 : i32
      %dma_start3A_133 = arith.constant 0 : i32
      %dma_start3A_134 = tpu.memref_slice %arg6[%dma_start3A_129, %dma_start3A_131, %dma_start3A_132, %dma_start3A_133] : memref<2x2x128x128xf32, #tpu.memory_space<vmem>> -> memref<1x2x128x128xf32, #tpu.memory_space<vmem>>
      %dma_start3A_135 = tpu.memref_squeeze %dma_start3A_134 : memref<1x2x128x128xf32, #tpu.memory_space<vmem>> -> memref<2x128x128xf32, #tpu.memory_space<vmem>>
      %dma_start3A_136 = arith.constant 0 : i32
      %dma_start3A_137 = arith.constant 0 : i32
      %dma_start3A_138 = tpu.memref_slice %dma_start3A_135[%dma_start3A_130, %dma_start3A_136, %dma_start3A_137] : memref<2x128x128xf32, #tpu.memory_space<vmem>> -> memref<1x128x128xf32, #tpu.memory_space<vmem>>
      %dma_start3A_139 = tpu.memref_squeeze %dma_start3A_138 : memref<1x128x128xf32, #tpu.memory_space<vmem>> -> memref<128x128xf32, #tpu.memory_space<vmem>>
      %dma_start3A_140 = arith.constant 0 : i32
      %dma_start3A_141 = tpu.memref_slice %arg5[%and3A_110, %add3A_128, %dma_start3A_140] : memref<2x8x128xi32, #tpu.memory_space<vmem>> -> memref<1x1x128xi32, #tpu.memory_space<vmem>>
      %dma_start3A_142 = tpu.memref_squeeze %dma_start3A_141 : memref<1x1x128xi32, #tpu.memory_space<vmem>> -> memref<128xi32, #tpu.memory_space<vmem>>
      %dma_start3A_143 = arith.constant 0 : i32
      %dma_start3A_144 = arith.constant 0 : i32
      %dma_start3A_145 = tpu.memref_slice %arg3[%dma_start3A_143, %dma_start3A_144] : memref<1000064x128xf32, #tpu.memory_space<hbm>> -> memref<1000064x128xf32, #tpu.memory_space<hbm>>
      tpu.enqueue_indirect_dma source(%dma_start3A_145 : memref<1000064x128xf32, #tpu.memory_space<hbm>>) target(%dma_start3A_139 : memref<128x128xf32, #tpu.memory_space<vmem>>) offsets(%dma_start3A_142 : memref<128xi32, #tpu.memory_space<vmem>>) semaphore(%arg8 : memref<!tpu.dma_semaphore, #tpu.memory_space<semaphore_mem>>)
      %and3A_146 = arith.constant 1 : i32
      %and3A_147 = arith.andi %select_n3A, %and3A_146 : i32
      %mul3A_148 = arith.constant 2 : i32
      %mul3A_149 = arith.muli %add3A_92, %mul3A_148 : i32
      %jit3A_150 = arith.constant 8 : i32
      %eq3A_151 = arith.constant 0 : i32
      %eq3A_152 = arith.cmpi eq, %jit3A_150, %eq3A_151 : i32
      %jit3A_153 = arith.constant 1 : i32
      %select_n3A_154 = arith.select %eq3A_152, %jit3A_153, %jit3A_150 : i32
      %rem3A_155 = arith.remsi %mul3A_149, %select_n3A_154 : i32
      %ne3A_156 = arith.constant 0 : i32
      %ne3A_157 = arith.cmpi ne, %rem3A_155, %ne3A_156 : i32
      %lt3A_158 = arith.constant 0 : i32
      %lt3A_159 = arith.cmpi slt, %rem3A_155, %lt3A_158 : i32
      %lt3A_160 = arith.constant 0 : i32
      %lt3A_161 = arith.cmpi slt, %select_n3A_154, %lt3A_160 : i32
      %ne3A_162 = arith.xori %lt3A_159, %lt3A_161 : i1
      %and3A_163 = arith.andi %ne3A_162, %ne3A_157 : i1
      %add3A_164 = arith.addi %rem3A_155, %select_n3A_154 : i32
      %select_n3A_165 = arith.select %and3A_163, %add3A_164, %rem3A_155 : i32
      %add3A_166 = arith.constant 1 : i32
      %add3A_167 = arith.addi %select_n3A_165, %add3A_166 : i32
      %dma_start3A_168 = arith.constant 1 : i32
      %dma_start3A_169 = arith.constant 1 : i32
      %dma_start3A_170 = arith.constant 0 : i32
      %dma_start3A_171 = arith.constant 0 : i32
      %dma_start3A_172 = arith.constant 0 : i32
      %dma_start3A_173 = tpu.memref_slice %arg6[%dma_start3A_168, %dma_start3A_170, %dma_start3A_171, %dma_start3A_172] : memref<2x2x128x128xf32, #tpu.memory_space<vmem>> -> memref<1x2x128x128xf32, #tpu.memory_space<vmem>>
      %dma_start3A_174 = tpu.memref_squeeze %dma_start3A_173 : memref<1x2x128x128xf32, #tpu.memory_space<vmem>> -> memref<2x128x128xf32, #tpu.memory_space<vmem>>
      %dma_start3A_175 = arith.constant 0 : i32
      %dma_start3A_176 = arith.constant 0 : i32
      %dma_start3A_177 = tpu.memref_slice %dma_start3A_174[%dma_start3A_169, %dma_start3A_175, %dma_start3A_176] : memref<2x128x128xf32, #tpu.memory_space<vmem>> -> memref<1x128x128xf32, #tpu.memory_space<vmem>>
      %dma_start3A_178 = tpu.memref_squeeze %dma_start3A_177 : memref<1x128x128xf32, #tpu.memory_space<vmem>> -> memref<128x128xf32, #tpu.memory_space<vmem>>
      %dma_start3A_179 = arith.constant 0 : i32
      %dma_start3A_180 = tpu.memref_slice %arg5[%and3A_147, %add3A_167, %dma_start3A_179] : memref<2x8x128xi32, #tpu.memory_space<vmem>> -> memref<1x1x128xi32, #tpu.memory_space<vmem>>
      %dma_start3A_181 = tpu.memref_squeeze %dma_start3A_180 : memref<1x1x128xi32, #tpu.memory_space<vmem>> -> memref<128xi32, #tpu.memory_space<vmem>>
      %dma_start3A_182 = arith.constant 0 : i32
      %dma_start3A_183 = arith.constant 0 : i32
      %dma_start3A_184 = tpu.memref_slice %arg3[%dma_start3A_182, %dma_start3A_183] : memref<1000064x128xf32, #tpu.memory_space<hbm>> -> memref<1000064x128xf32, #tpu.memory_space<hbm>>
      tpu.enqueue_indirect_dma source(%dma_start3A_184 : memref<1000064x128xf32, #tpu.memory_space<hbm>>) target(%dma_start3A_178 : memref<128x128xf32, #tpu.memory_space<vmem>>) offsets(%dma_start3A_181 : memref<128xi32, #tpu.memory_space<vmem>>) semaphore(%arg8 : memref<!tpu.dma_semaphore, #tpu.memory_space<semaphore_mem>>)
      %dma_wait3A_185 = arith.constant 0 : i32
      %dma_wait3A_186 = arith.constant 0 : i32
      %dma_wait3A_187 = arith.constant 0 : i32
      %dma_wait3A_188 = arith.constant 0 : i32
      %dma_wait3A_189 = tpu.memref_slice %arg6[%dma_wait3A_185, %dma_wait3A_186, %dma_wait3A_187, %dma_wait3A_188] : memref<2x2x128x128xf32, #tpu.memory_space<vmem>> -> memref<1x2x128x128xf32, #tpu.memory_space<vmem>>
      %dma_wait3A_190 = tpu.memref_squeeze %dma_wait3A_189 : memref<1x2x128x128xf32, #tpu.memory_space<vmem>> -> memref<2x128x128xf32, #tpu.memory_space<vmem>>
      %dma_wait3A_191 = arith.constant 0 : i32
      %dma_wait3A_192 = arith.constant 0 : i32
      %dma_wait3A_193 = arith.constant 0 : i32
      %dma_wait3A_194 = tpu.memref_slice %arg4[%dma_wait3A_191, %dma_wait3A_192, %dma_wait3A_193] : memref<6400x128x128xf32, #tpu.memory_space<hbm>> -> memref<2x128x128xf32, #tpu.memory_space<hbm>>
      %dma_wait3A_195 = arith.constant 0 : i32
      %dma_wait3A_196 = arith.constant 0 : i32
      %dma_wait3A_197 = arith.constant 0 : i32
      %dma_wait3A_198 = tpu.memref_slice %arg6[%dma_wait3A_185, %dma_wait3A_195, %dma_wait3A_196, %dma_wait3A_197] : memref<2x2x128x128xf32, #tpu.memory_space<vmem>> -> memref<1x2x128x128xf32, #tpu.memory_space<vmem>>
      %dma_wait3A_199 = tpu.memref_squeeze %dma_wait3A_198 : memref<1x2x128x128xf32, #tpu.memory_space<vmem>> -> memref<2x128x128xf32, #tpu.memory_space<vmem>>
      %dma_wait3A_200 = arith.constant 0 : i32
      %dma_wait3A_201 = arith.constant 0 : i32
      %dma_wait3A_202 = arith.constant 0 : i32
      %dma_wait3A_203 = tpu.memref_slice %arg4[%dma_wait3A_200, %dma_wait3A_201, %dma_wait3A_202] : memref<6400x128x128xf32, #tpu.memory_space<hbm>> -> memref<2x128x128xf32, #tpu.memory_space<hbm>>
      tpu.wait_dma2 semaphore(%arg7 : memref<!tpu.dma_semaphore, #tpu.memory_space<semaphore_mem>>) src(%dma_wait3A_203 : memref<2x128x128xf32, #tpu.memory_space<hbm>>) dst(%dma_wait3A_199 : memref<2x128x128xf32, #tpu.memory_space<vmem>>)
      %mul3A_204 = arith.constant 2 : i32
      %mul3A_205 = arith.muli %mul3A_88, %mul3A_204 : i32
      %add3A_206 = arith.addi %mul3A_2, %mul3A_205 : i32
      %dma_start3A_207 = arith.constant 0 : i32
      %dma_start3A_208 = arith.constant 0 : i32
      %dma_start3A_209 = arith.constant 0 : i32
      %dma_start3A_210 = arith.constant 0 : i32
      %dma_start3A_211 = tpu.memref_slice %arg6[%dma_start3A_207, %dma_start3A_208, %dma_start3A_209, %dma_start3A_210] : memref<2x2x128x128xf32, #tpu.memory_space<vmem>> -> memref<1x2x128x128xf32, #tpu.memory_space<vmem>>
      %dma_start3A_212 = tpu.memref_squeeze %dma_start3A_211 : memref<1x2x128x128xf32, #tpu.memory_space<vmem>> -> memref<2x128x128xf32, #tpu.memory_space<vmem>>
      %dma_start3A_213 = arith.constant 0 : i32
      %dma_start3A_214 = arith.constant 0 : i32
      %dma_start3A_215 = tpu.memref_slice %arg4[%add3A_206, %dma_start3A_213, %dma_start3A_214] : memref<6400x128x128xf32, #tpu.memory_space<hbm>> -> memref<2x128x128xf32, #tpu.memory_space<hbm>>
      %dma_start3A_216 = arith.constant 0 : i32
      %dma_start3A_217 = arith.constant 0 : i32
      %dma_start3A_218 = tpu.memref_slice %arg4[%add3A_206, %dma_start3A_216, %dma_start3A_217] : memref<6400x128x128xf32, #tpu.memory_space<hbm>> -> memref<2x128x128xf32, #tpu.memory_space<hbm>>
      %dma_start3A_219 = arith.constant 0 : i32
      %dma_start3A_220 = arith.constant 0 : i32
      %dma_start3A_221 = arith.constant 0 : i32
      %dma_start3A_222 = tpu.memref_slice %arg6[%dma_start3A_207, %dma_start3A_219, %dma_start3A_220, %dma_start3A_221] : memref<2x2x128x128xf32, #tpu.memory_space<vmem>> -> memref<1x2x128x128xf32, #tpu.memory_space<vmem>>
      %dma_start3A_223 = tpu.memref_squeeze %dma_start3A_222 : memref<1x2x128x128xf32, #tpu.memory_space<vmem>> -> memref<2x128x128xf32, #tpu.memory_space<vmem>>
      tpu.enqueue_dma source(%dma_start3A_223 : memref<2x128x128xf32, #tpu.memory_space<vmem>>) target(%dma_start3A_218 : memref<2x128x128xf32, #tpu.memory_space<hbm>>) target_semaphore(%arg9 : memref<!tpu.dma_semaphore, #tpu.memory_space<semaphore_mem>>)
      %jit3A_224 = arith.constant 2 : i32
      %eq3A_225 = arith.constant 0 : i32
      %eq3A_226 = arith.cmpi eq, %jit3A_224, %eq3A_225 : i32
      %jit3A_227 = arith.constant 1 : i32
      %select_n3A_228 = arith.select %eq3A_226, %jit3A_227, %jit3A_224 : i32
      %rem3A_229 = arith.remsi %scan3A_85, %select_n3A_228 : i32
      %ne3A_230 = arith.constant 0 : i32
      %ne3A_231 = arith.cmpi ne, %rem3A_229, %ne3A_230 : i32
      %lt3A_232 = arith.constant 0 : i32
      %lt3A_233 = arith.cmpi slt, %rem3A_229, %lt3A_232 : i32
      %lt3A_234 = arith.constant 0 : i32
      %lt3A_235 = arith.cmpi slt, %select_n3A_228, %lt3A_234 : i32
      %ne3A_236 = arith.xori %lt3A_233, %lt3A_235 : i1
      %and3A_237 = arith.andi %ne3A_236, %ne3A_231 : i1
      %add3A_238 = arith.addi %rem3A_229, %select_n3A_228 : i32
      %select_n3A_239 = arith.select %and3A_237, %add3A_238, %rem3A_229 : i32
      %eq3A_240 = arith.constant 1 : i32
      %eq3A_241 = arith.cmpi eq, %select_n3A_239, %eq3A_240 : i32
      %lt3A_242 = arith.constant 49 : i32
      %lt3A_243 = arith.cmpi slt, %scan3A_85, %lt3A_242 : i32
      %and3A_244 = arith.andi %eq3A_241, %lt3A_243 : i1
      %convert_element_type3A_245 = arith.extui %and3A_244 : i1 to i32
      %cond3A_246 = arith.constant 0 : i32
      %cond3A_247 = arith.cmpi ne, %convert_element_type3A_245, %cond3A_246 : i32
      scf.if %cond3A_247 {
        %add3A_295 = arith.constant 1 : i32
        %add3A_296 = arith.addi %scan3A_85, %add3A_295 : i32
        %jit3A_297 = arith.constant 2 : i32
        %div3A_298 = arith.divsi %add3A_296, %jit3A_297 : i32
        %sign3A_299 = arith.constant 0 : i32
        %sign3A_300 = arith.cmpi sgt, %add3A_296, %sign3A_299 : i32
        %sign3A_301 = arith.extui %sign3A_300 : i1 to i32
        %sign3A_302 = arith.constant 0 : i32
        %sign3A_303 = arith.cmpi slt, %add3A_296, %sign3A_302 : i32
        %sign3A_304 = arith.extui %sign3A_303 : i1 to i32
        %sign3A_305 = arith.subi %sign3A_301, %sign3A_304 : i32
        %sign3A_306 = arith.constant 0 : i32
        %sign3A_307 = arith.cmpi sgt, %jit3A_297, %sign3A_306 : i32
        %sign3A_308 = arith.extui %sign3A_307 : i1 to i32
        %sign3A_309 = arith.constant 0 : i32
        %sign3A_310 = arith.cmpi slt, %jit3A_297, %sign3A_309 : i32
        %sign3A_311 = arith.extui %sign3A_310 : i1 to i32
        %sign3A_312 = arith.subi %sign3A_308, %sign3A_311 : i32
        %ne3A_313 = arith.cmpi ne, %sign3A_305, %sign3A_312 : i32
        %rem3A_314 = arith.remsi %add3A_296, %jit3A_297 : i32
        %ne3A_315 = arith.constant 0 : i32
        %ne3A_316 = arith.cmpi ne, %rem3A_314, %ne3A_315 : i32
        %and3A_317 = arith.andi %ne3A_313, %ne3A_316 : i1
        %sub3A_318 = arith.constant 1 : i32
        %sub3A_319 = arith.subi %div3A_298, %sub3A_318 : i32
        %select_n3A_320 = arith.select %and3A_317, %sub3A_319, %div3A_298 : i32
        %mul3A_321 = arith.constant 8 : i32
        %mul3A_322 = arith.muli %select_n3A_320, %mul3A_321 : i32
        %add3A_323 = arith.addi %mul3A_2, %mul3A_322 : i32
        %and3A_324 = arith.constant 1 : i32
        %and3A_325 = arith.andi %select_n3A_320, %and3A_324 : i32
        "tpu.region"() ({
          %run_scoped3A_326 = tpu.sem_alloc : memref<!tpu.dma_semaphore, #tpu.memory_space<semaphore_mem>>
          %dma_start3A_327 = arith.constant 0 : i32
          %dma_start3A_328 = arith.constant 0 : i32
          %dma_start3A_329 = tpu.memref_slice %arg5[%and3A_325, %dma_start3A_327, %dma_start3A_328] : memref<2x8x128xi32, #tpu.memory_space<vmem>> -> memref<1x8x128xi32, #tpu.memory_space<vmem>>
          %dma_start3A_330 = tpu.memref_squeeze %dma_start3A_329 : memref<1x8x128xi32, #tpu.memory_space<vmem>> -> memref<8x128xi32, #tpu.memory_space<vmem>>
          %dma_start3A_331 = arith.constant 0 : i32
          %dma_start3A_332 = tpu.memref_slice %arg2[%add3A_323, %dma_start3A_331] : memref<6400x128xi32, #tpu.memory_space<hbm>> -> memref<8x128xi32, #tpu.memory_space<hbm>>
          %dma_start3A_333 = arith.constant 0 : i32
          %dma_start3A_334 = arith.constant 0 : i32
          %dma_start3A_335 = tpu.memref_slice %arg5[%and3A_325, %dma_start3A_333, %dma_start3A_334] : memref<2x8x128xi32, #tpu.memory_space<vmem>> -> memref<1x8x128xi32, #tpu.memory_space<vmem>>
          %dma_start3A_336 = tpu.memref_squeeze %dma_start3A_335 : memref<1x8x128xi32, #tpu.memory_space<vmem>> -> memref<8x128xi32, #tpu.memory_space<vmem>>
          %dma_start3A_337 = arith.constant 0 : i32
          %dma_start3A_338 = tpu.memref_slice %arg2[%add3A_323, %dma_start3A_337] : memref<6400x128xi32, #tpu.memory_space<hbm>> -> memref<8x128xi32, #tpu.memory_space<hbm>>
          tpu.enqueue_dma source(%dma_start3A_338 : memref<8x128xi32, #tpu.memory_space<hbm>>) target(%dma_start3A_336 : memref<8x128xi32, #tpu.memory_space<vmem>>) target_semaphore(%run_scoped3A_326 : memref<!tpu.dma_semaphore, #tpu.memory_space<semaphore_mem>>)
          %dma_wait3A_339 = arith.constant 0 : i32
          %dma_wait3A_340 = arith.constant 0 : i32
          %dma_wait3A_341 = tpu.memref_slice %arg5[%and3A_325, %dma_wait3A_339, %dma_wait3A_340] : memref<2x8x128xi32, #tpu.memory_space<vmem>> -> memref<1x8x128xi32, #tpu.memory_space<vmem>>
          %dma_wait3A_342 = tpu.memref_squeeze %dma_wait3A_341 : memref<1x8x128xi32, #tpu.memory_space<vmem>> -> memref<8x128xi32, #tpu.memory_space<vmem>>
          %dma_wait3A_343 = arith.constant 0 : i32
          %dma_wait3A_344 = tpu.memref_slice %arg2[%add3A_323, %dma_wait3A_343] : memref<6400x128xi32, #tpu.memory_space<hbm>> -> memref<8x128xi32, #tpu.memory_space<hbm>>
          %dma_wait3A_345 = arith.constant 0 : i32
          %dma_wait3A_346 = arith.constant 0 : i32
          %dma_wait3A_347 = tpu.memref_slice %arg5[%and3A_325, %dma_wait3A_345, %dma_wait3A_346] : memref<2x8x128xi32, #tpu.memory_space<vmem>> -> memref<1x8x128xi32, #tpu.memory_space<vmem>>
          %dma_wait3A_348 = tpu.memref_squeeze %dma_wait3A_347 : memref<1x8x128xi32, #tpu.memory_space<vmem>> -> memref<8x128xi32, #tpu.memory_space<vmem>>
          %dma_wait3A_349 = arith.constant 0 : i32
          %dma_wait3A_350 = tpu.memref_slice %arg2[%add3A_323, %dma_wait3A_349] : memref<6400x128xi32, #tpu.memory_space<hbm>> -> memref<8x128xi32, #tpu.memory_space<hbm>>
          tpu.wait_dma2 semaphore(%run_scoped3A_326 : memref<!tpu.dma_semaphore, #tpu.memory_space<semaphore_mem>>) src(%dma_wait3A_350 : memref<8x128xi32, #tpu.memory_space<hbm>>) dst(%dma_wait3A_348 : memref<8x128xi32, #tpu.memory_space<vmem>>)
          tpu.yield
        }) : () -> ()
      } else {
      }
      %lt3A_248 = arith.constant 49 : i32
      %lt3A_249 = arith.cmpi slt, %scan3A_85, %lt3A_248 : i32
      %convert_element_type3A_250 = arith.extui %lt3A_249 : i1 to i32
      %cond3A_251 = arith.constant 0 : i32
      %cond3A_252 = arith.cmpi ne, %convert_element_type3A_250, %cond3A_251 : i32
      scf.if %cond3A_252 {
        %dma_wait3A_295 = arith.constant 0 : i32
        %dma_wait3A_296 = arith.constant 0 : i32
        %dma_wait3A_297 = arith.constant 0 : i32
        %dma_wait3A_298 = arith.constant 0 : i32
        %dma_wait3A_299 = tpu.memref_slice %arg6[%dma_wait3A_295, %dma_wait3A_296, %dma_wait3A_297, %dma_wait3A_298] : memref<2x2x128x128xf32, #tpu.memory_space<vmem>> -> memref<1x2x128x128xf32, #tpu.memory_space<vmem>>
        %dma_wait3A_300 = tpu.memref_squeeze %dma_wait3A_299 : memref<1x2x128x128xf32, #tpu.memory_space<vmem>> -> memref<2x128x128xf32, #tpu.memory_space<vmem>>
        %dma_wait3A_301 = arith.constant 0 : i32
        %dma_wait3A_302 = arith.constant 0 : i32
        %dma_wait3A_303 = arith.constant 0 : i32
        %dma_wait3A_304 = tpu.memref_slice %arg4[%dma_wait3A_301, %dma_wait3A_302, %dma_wait3A_303] : memref<6400x128x128xf32, #tpu.memory_space<hbm>> -> memref<2x128x128xf32, #tpu.memory_space<hbm>>
        %dma_wait3A_305 = arith.constant 0 : i32
        %dma_wait3A_306 = arith.constant 0 : i32
        %dma_wait3A_307 = arith.constant 0 : i32
        %dma_wait3A_308 = tpu.memref_slice %arg6[%dma_wait3A_295, %dma_wait3A_305, %dma_wait3A_306, %dma_wait3A_307] : memref<2x2x128x128xf32, #tpu.memory_space<vmem>> -> memref<1x2x128x128xf32, #tpu.memory_space<vmem>>
        %dma_wait3A_309 = tpu.memref_squeeze %dma_wait3A_308 : memref<1x2x128x128xf32, #tpu.memory_space<vmem>> -> memref<2x128x128xf32, #tpu.memory_space<vmem>>
        %dma_wait3A_310 = arith.constant 0 : i32
        %dma_wait3A_311 = arith.constant 0 : i32
        %dma_wait3A_312 = arith.constant 0 : i32
        %dma_wait3A_313 = tpu.memref_slice %arg4[%dma_wait3A_310, %dma_wait3A_311, %dma_wait3A_312] : memref<6400x128x128xf32, #tpu.memory_space<hbm>> -> memref<2x128x128xf32, #tpu.memory_space<hbm>>
        tpu.wait_dma2 semaphore(%arg9 : memref<!tpu.dma_semaphore, #tpu.memory_space<semaphore_mem>>) src(%dma_wait3A_313 : memref<2x128x128xf32, #tpu.memory_space<hbm>>) dst(%dma_wait3A_309 : memref<2x128x128xf32, #tpu.memory_space<vmem>>)
        %add3A_314 = arith.constant 2 : i32
        %add3A_315 = arith.addi %mul3A_88, %add3A_314 : i32
        %jit3A_316 = arith.constant 4 : i32
        %div3A_317 = arith.divsi %add3A_315, %jit3A_316 : i32
        %sign3A_318 = arith.constant 0 : i32
        %sign3A_319 = arith.cmpi sgt, %add3A_315, %sign3A_318 : i32
        %sign3A_320 = arith.extui %sign3A_319 : i1 to i32
        %sign3A_321 = arith.constant 0 : i32
        %sign3A_322 = arith.cmpi slt, %add3A_315, %sign3A_321 : i32
        %sign3A_323 = arith.extui %sign3A_322 : i1 to i32
        %sign3A_324 = arith.subi %sign3A_320, %sign3A_323 : i32
        %sign3A_325 = arith.constant 0 : i32
        %sign3A_326 = arith.cmpi sgt, %jit3A_316, %sign3A_325 : i32
        %sign3A_327 = arith.extui %sign3A_326 : i1 to i32
        %sign3A_328 = arith.constant 0 : i32
        %sign3A_329 = arith.cmpi slt, %jit3A_316, %sign3A_328 : i32
        %sign3A_330 = arith.extui %sign3A_329 : i1 to i32
        %sign3A_331 = arith.subi %sign3A_327, %sign3A_330 : i32
        %ne3A_332 = arith.cmpi ne, %sign3A_324, %sign3A_331 : i32
        %rem3A_333 = arith.remsi %add3A_315, %jit3A_316 : i32
        %ne3A_334 = arith.constant 0 : i32
        %ne3A_335 = arith.cmpi ne, %rem3A_333, %ne3A_334 : i32
        %and3A_336 = arith.andi %ne3A_332, %ne3A_335 : i1
        %sub3A_337 = arith.constant 1 : i32
        %sub3A_338 = arith.subi %div3A_317, %sub3A_337 : i32
        %select_n3A_339 = arith.select %and3A_336, %sub3A_338, %div3A_317 : i32
        %and3A_340 = arith.constant 1 : i32
        %and3A_341 = arith.andi %select_n3A_339, %and3A_340 : i32
        %mul3A_342 = arith.constant 2 : i32
        %mul3A_343 = arith.muli %add3A_315, %mul3A_342 : i32
        %jit3A_344 = arith.constant 8 : i32
        %eq3A_345 = arith.constant 0 : i32
        %eq3A_346 = arith.cmpi eq, %jit3A_344, %eq3A_345 : i32
        %jit3A_347 = arith.constant 1 : i32
        %select_n3A_348 = arith.select %eq3A_346, %jit3A_347, %jit3A_344 : i32
        %rem3A_349 = arith.remsi %mul3A_343, %select_n3A_348 : i32
        %ne3A_350 = arith.constant 0 : i32
        %ne3A_351 = arith.cmpi ne, %rem3A_349, %ne3A_350 : i32
        %lt3A_352 = arith.constant 0 : i32
        %lt3A_353 = arith.cmpi slt, %rem3A_349, %lt3A_352 : i32
        %lt3A_354 = arith.constant 0 : i32
        %lt3A_355 = arith.cmpi slt, %select_n3A_348, %lt3A_354 : i32
        %ne3A_356 = arith.xori %lt3A_353, %lt3A_355 : i1
        %and3A_357 = arith.andi %ne3A_356, %ne3A_351 : i1
        %add3A_358 = arith.addi %rem3A_349, %select_n3A_348 : i32
        %select_n3A_359 = arith.select %and3A_357, %add3A_358, %rem3A_349 : i32
        %add3A_360 = arith.constant 0 : i32
        %add3A_361 = arith.addi %select_n3A_359, %add3A_360 : i32
        %dma_start3A_362 = arith.constant 0 : i32
        %dma_start3A_363 = arith.constant 0 : i32
        %dma_start3A_364 = arith.constant 0 : i32
        %dma_start3A_365 = arith.constant 0 : i32
        %dma_start3A_366 = arith.constant 0 : i32
        %dma_start3A_367 = tpu.memref_slice %arg6[%dma_start3A_362, %dma_start3A_364, %dma_start3A_365, %dma_start3A_366] : memref<2x2x128x128xf32, #tpu.memory_space<vmem>> -> memref<1x2x128x128xf32, #tpu.memory_space<vmem>>
        %dma_start3A_368 = tpu.memref_squeeze %dma_start3A_367 : memref<1x2x128x128xf32, #tpu.memory_space<vmem>> -> memref<2x128x128xf32, #tpu.memory_space<vmem>>
        %dma_start3A_369 = arith.constant 0 : i32
        %dma_start3A_370 = arith.constant 0 : i32
        %dma_start3A_371 = tpu.memref_slice %dma_start3A_368[%dma_start3A_363, %dma_start3A_369, %dma_start3A_370] : memref<2x128x128xf32, #tpu.memory_space<vmem>> -> memref<1x128x128xf32, #tpu.memory_space<vmem>>
        %dma_start3A_372 = tpu.memref_squeeze %dma_start3A_371 : memref<1x128x128xf32, #tpu.memory_space<vmem>> -> memref<128x128xf32, #tpu.memory_space<vmem>>
        %dma_start3A_373 = arith.constant 0 : i32
        %dma_start3A_374 = tpu.memref_slice %arg5[%and3A_341, %add3A_361, %dma_start3A_373] : memref<2x8x128xi32, #tpu.memory_space<vmem>> -> memref<1x1x128xi32, #tpu.memory_space<vmem>>
        %dma_start3A_375 = tpu.memref_squeeze %dma_start3A_374 : memref<1x1x128xi32, #tpu.memory_space<vmem>> -> memref<128xi32, #tpu.memory_space<vmem>>
        %dma_start3A_376 = arith.constant 0 : i32
        %dma_start3A_377 = arith.constant 0 : i32
        %dma_start3A_378 = tpu.memref_slice %arg3[%dma_start3A_376, %dma_start3A_377] : memref<1000064x128xf32, #tpu.memory_space<hbm>> -> memref<1000064x128xf32, #tpu.memory_space<hbm>>
        tpu.enqueue_indirect_dma source(%dma_start3A_378 : memref<1000064x128xf32, #tpu.memory_space<hbm>>) target(%dma_start3A_372 : memref<128x128xf32, #tpu.memory_space<vmem>>) offsets(%dma_start3A_375 : memref<128xi32, #tpu.memory_space<vmem>>) semaphore(%arg7 : memref<!tpu.dma_semaphore, #tpu.memory_space<semaphore_mem>>)
        %and3A_379 = arith.constant 1 : i32
        %and3A_380 = arith.andi %select_n3A_339, %and3A_379 : i32
        %mul3A_381 = arith.constant 2 : i32
        %mul3A_382 = arith.muli %add3A_315, %mul3A_381 : i32
        %jit3A_383 = arith.constant 8 : i32
        %eq3A_384 = arith.constant 0 : i32
        %eq3A_385 = arith.cmpi eq, %jit3A_383, %eq3A_384 : i32
        %jit3A_386 = arith.constant 1 : i32
        %select_n3A_387 = arith.select %eq3A_385, %jit3A_386, %jit3A_383 : i32
        %rem3A_388 = arith.remsi %mul3A_382, %select_n3A_387 : i32
        %ne3A_389 = arith.constant 0 : i32
        %ne3A_390 = arith.cmpi ne, %rem3A_388, %ne3A_389 : i32
        %lt3A_391 = arith.constant 0 : i32
        %lt3A_392 = arith.cmpi slt, %rem3A_388, %lt3A_391 : i32
        %lt3A_393 = arith.constant 0 : i32
        %lt3A_394 = arith.cmpi slt, %select_n3A_387, %lt3A_393 : i32
        %ne3A_395 = arith.xori %lt3A_392, %lt3A_394 : i1
        %and3A_396 = arith.andi %ne3A_395, %ne3A_390 : i1
        %add3A_397 = arith.addi %rem3A_388, %select_n3A_387 : i32
        %select_n3A_398 = arith.select %and3A_396, %add3A_397, %rem3A_388 : i32
        %add3A_399 = arith.constant 1 : i32
        %add3A_400 = arith.addi %select_n3A_398, %add3A_399 : i32
        %dma_start3A_401 = arith.constant 0 : i32
        %dma_start3A_402 = arith.constant 1 : i32
        %dma_start3A_403 = arith.constant 0 : i32
        %dma_start3A_404 = arith.constant 0 : i32
        %dma_start3A_405 = arith.constant 0 : i32
        %dma_start3A_406 = tpu.memref_slice %arg6[%dma_start3A_401, %dma_start3A_403, %dma_start3A_404, %dma_start3A_405] : memref<2x2x128x128xf32, #tpu.memory_space<vmem>> -> memref<1x2x128x128xf32, #tpu.memory_space<vmem>>
        %dma_start3A_407 = tpu.memref_squeeze %dma_start3A_406 : memref<1x2x128x128xf32, #tpu.memory_space<vmem>> -> memref<2x128x128xf32, #tpu.memory_space<vmem>>
        %dma_start3A_408 = arith.constant 0 : i32
        %dma_start3A_409 = arith.constant 0 : i32
        %dma_start3A_410 = tpu.memref_slice %dma_start3A_407[%dma_start3A_402, %dma_start3A_408, %dma_start3A_409] : memref<2x128x128xf32, #tpu.memory_space<vmem>> -> memref<1x128x128xf32, #tpu.memory_space<vmem>>
        %dma_start3A_411 = tpu.memref_squeeze %dma_start3A_410 : memref<1x128x128xf32, #tpu.memory_space<vmem>> -> memref<128x128xf32, #tpu.memory_space<vmem>>
        %dma_start3A_412 = arith.constant 0 : i32
        %dma_start3A_413 = tpu.memref_slice %arg5[%and3A_380, %add3A_400, %dma_start3A_412] : memref<2x8x128xi32, #tpu.memory_space<vmem>> -> memref<1x1x128xi32, #tpu.memory_space<vmem>>
        %dma_start3A_414 = tpu.memref_squeeze %dma_start3A_413 : memref<1x1x128xi32, #tpu.memory_space<vmem>> -> memref<128xi32, #tpu.memory_space<vmem>>
        %dma_start3A_415 = arith.constant 0 : i32
        %dma_start3A_416 = arith.constant 0 : i32
        %dma_start3A_417 = tpu.memref_slice %arg3[%dma_start3A_415, %dma_start3A_416] : memref<1000064x128xf32, #tpu.memory_space<hbm>> -> memref<1000064x128xf32, #tpu.memory_space<hbm>>
        tpu.enqueue_indirect_dma source(%dma_start3A_417 : memref<1000064x128xf32, #tpu.memory_space<hbm>>) target(%dma_start3A_411 : memref<128x128xf32, #tpu.memory_space<vmem>>) offsets(%dma_start3A_414 : memref<128xi32, #tpu.memory_space<vmem>>) semaphore(%arg7 : memref<!tpu.dma_semaphore, #tpu.memory_space<semaphore_mem>>)
      } else {
      }
      %dma_wait3A_253 = arith.constant 1 : i32
      %dma_wait3A_254 = arith.constant 0 : i32
      %dma_wait3A_255 = arith.constant 0 : i32
      %dma_wait3A_256 = arith.constant 0 : i32
      %dma_wait3A_257 = tpu.memref_slice %arg6[%dma_wait3A_253, %dma_wait3A_254, %dma_wait3A_255, %dma_wait3A_256] : memref<2x2x128x128xf32, #tpu.memory_space<vmem>> -> memref<1x2x128x128xf32, #tpu.memory_space<vmem>>
      %dma_wait3A_258 = tpu.memref_squeeze %dma_wait3A_257 : memref<1x2x128x128xf32, #tpu.memory_space<vmem>> -> memref<2x128x128xf32, #tpu.memory_space<vmem>>
      %dma_wait3A_259 = arith.constant 0 : i32
      %dma_wait3A_260 = arith.constant 0 : i32
      %dma_wait3A_261 = arith.constant 0 : i32
      %dma_wait3A_262 = tpu.memref_slice %arg4[%dma_wait3A_259, %dma_wait3A_260, %dma_wait3A_261] : memref<6400x128x128xf32, #tpu.memory_space<hbm>> -> memref<2x128x128xf32, #tpu.memory_space<hbm>>
      %dma_wait3A_263 = arith.constant 0 : i32
      %dma_wait3A_264 = arith.constant 0 : i32
      %dma_wait3A_265 = arith.constant 0 : i32
      %dma_wait3A_266 = tpu.memref_slice %arg6[%dma_wait3A_253, %dma_wait3A_263, %dma_wait3A_264, %dma_wait3A_265] : memref<2x2x128x128xf32, #tpu.memory_space<vmem>> -> memref<1x2x128x128xf32, #tpu.memory_space<vmem>>
      %dma_wait3A_267 = tpu.memref_squeeze %dma_wait3A_266 : memref<1x2x128x128xf32, #tpu.memory_space<vmem>> -> memref<2x128x128xf32, #tpu.memory_space<vmem>>
      %dma_wait3A_268 = arith.constant 0 : i32
      %dma_wait3A_269 = arith.constant 0 : i32
      %dma_wait3A_270 = arith.constant 0 : i32
      %dma_wait3A_271 = tpu.memref_slice %arg4[%dma_wait3A_268, %dma_wait3A_269, %dma_wait3A_270] : memref<6400x128x128xf32, #tpu.memory_space<hbm>> -> memref<2x128x128xf32, #tpu.memory_space<hbm>>
      tpu.wait_dma2 semaphore(%arg8 : memref<!tpu.dma_semaphore, #tpu.memory_space<semaphore_mem>>) src(%dma_wait3A_271 : memref<2x128x128xf32, #tpu.memory_space<hbm>>) dst(%dma_wait3A_267 : memref<2x128x128xf32, #tpu.memory_space<vmem>>)
      %add3A_272 = arith.constant 1 : i32
      %add3A_273 = arith.addi %mul3A_88, %add3A_272 : i32
      %mul3A_274 = arith.constant 2 : i32
      %mul3A_275 = arith.muli %add3A_273, %mul3A_274 : i32
      %add3A_276 = arith.addi %mul3A_2, %mul3A_275 : i32
      %dma_start3A_277 = arith.constant 1 : i32
      %dma_start3A_278 = arith.constant 0 : i32
      %dma_start3A_279 = arith.constant 0 : i32
      %dma_start3A_280 = arith.constant 0 : i32
      %dma_start3A_281 = tpu.memref_slice %arg6[%dma_start3A_277, %dma_start3A_278, %dma_start3A_279, %dma_start3A_280] : memref<2x2x128x128xf32, #tpu.memory_space<vmem>> -> memref<1x2x128x128xf32, #tpu.memory_space<vmem>>
      %dma_start3A_282 = tpu.memref_squeeze %dma_start3A_281 : memref<1x2x128x128xf32, #tpu.memory_space<vmem>> -> memref<2x128x128xf32, #tpu.memory_space<vmem>>
      %dma_start3A_283 = arith.constant 0 : i32
      %dma_start3A_284 = arith.constant 0 : i32
      %dma_start3A_285 = tpu.memref_slice %arg4[%add3A_276, %dma_start3A_283, %dma_start3A_284] : memref<6400x128x128xf32, #tpu.memory_space<hbm>> -> memref<2x128x128xf32, #tpu.memory_space<hbm>>
      %dma_start3A_286 = arith.constant 0 : i32
      %dma_start3A_287 = arith.constant 0 : i32
      %dma_start3A_288 = tpu.memref_slice %arg4[%add3A_276, %dma_start3A_286, %dma_start3A_287] : memref<6400x128x128xf32, #tpu.memory_space<hbm>> -> memref<2x128x128xf32, #tpu.memory_space<hbm>>
      %dma_start3A_289 = arith.constant 0 : i32
      %dma_start3A_290 = arith.constant 0 : i32
      %dma_start3A_291 = arith.constant 0 : i32
      %dma_start3A_292 = tpu.memref_slice %arg6[%dma_start3A_277, %dma_start3A_289, %dma_start3A_290, %dma_start3A_291] : memref<2x2x128x128xf32, #tpu.memory_space<vmem>> -> memref<1x2x128x128xf32, #tpu.memory_space<vmem>>
      %dma_start3A_293 = tpu.memref_squeeze %dma_start3A_292 : memref<1x2x128x128xf32, #tpu.memory_space<vmem>> -> memref<2x128x128xf32, #tpu.memory_space<vmem>>
      tpu.enqueue_dma source(%dma_start3A_293 : memref<2x128x128xf32, #tpu.memory_space<vmem>>) target(%dma_start3A_288 : memref<2x128x128xf32, #tpu.memory_space<hbm>>) target_semaphore(%arg10 : memref<!tpu.dma_semaphore, #tpu.memory_space<semaphore_mem>>)
      %scan3A_294 = arith.constant 0 : i32
      scf.yield %scan3A_294 : i32
    }
    %scan3A_47 = arith.constant 50 : i32
    %dma_wait3A = arith.constant 0 : i32
    %dma_wait3A_48 = arith.constant 0 : i32
    %dma_wait3A_49 = arith.constant 0 : i32
    %dma_wait3A_50 = arith.constant 0 : i32
    %dma_wait3A_51 = tpu.memref_slice %arg6[%dma_wait3A, %dma_wait3A_48, %dma_wait3A_49, %dma_wait3A_50] : memref<2x2x128x128xf32, #tpu.memory_space<vmem>> -> memref<1x2x128x128xf32, #tpu.memory_space<vmem>>
    %dma_wait3A_52 = tpu.memref_squeeze %dma_wait3A_51 : memref<1x2x128x128xf32, #tpu.memory_space<vmem>> -> memref<2x128x128xf32, #tpu.memory_space<vmem>>
    %dma_wait3A_53 = arith.constant 0 : i32
    %dma_wait3A_54 = arith.constant 0 : i32
    %dma_wait3A_55 = arith.constant 0 : i32
    %dma_wait3A_56 = tpu.memref_slice %arg4[%dma_wait3A_53, %dma_wait3A_54, %dma_wait3A_55] : memref<6400x128x128xf32, #tpu.memory_space<hbm>> -> memref<2x128x128xf32, #tpu.memory_space<hbm>>
    %dma_wait3A_57 = arith.constant 0 : i32
    %dma_wait3A_58 = arith.constant 0 : i32
    %dma_wait3A_59 = arith.constant 0 : i32
    %dma_wait3A_60 = tpu.memref_slice %arg6[%dma_wait3A, %dma_wait3A_57, %dma_wait3A_58, %dma_wait3A_59] : memref<2x2x128x128xf32, #tpu.memory_space<vmem>> -> memref<1x2x128x128xf32, #tpu.memory_space<vmem>>
    %dma_wait3A_61 = tpu.memref_squeeze %dma_wait3A_60 : memref<1x2x128x128xf32, #tpu.memory_space<vmem>> -> memref<2x128x128xf32, #tpu.memory_space<vmem>>
    %dma_wait3A_62 = arith.constant 0 : i32
    %dma_wait3A_63 = arith.constant 0 : i32
    %dma_wait3A_64 = arith.constant 0 : i32
    %dma_wait3A_65 = tpu.memref_slice %arg4[%dma_wait3A_62, %dma_wait3A_63, %dma_wait3A_64] : memref<6400x128x128xf32, #tpu.memory_space<hbm>> -> memref<2x128x128xf32, #tpu.memory_space<hbm>>
    tpu.wait_dma2 semaphore(%arg9 : memref<!tpu.dma_semaphore, #tpu.memory_space<semaphore_mem>>) src(%dma_wait3A_65 : memref<2x128x128xf32, #tpu.memory_space<hbm>>) dst(%dma_wait3A_61 : memref<2x128x128xf32, #tpu.memory_space<vmem>>)
    %dma_wait3A_66 = arith.constant 1 : i32
    %dma_wait3A_67 = arith.constant 0 : i32
    %dma_wait3A_68 = arith.constant 0 : i32
    %dma_wait3A_69 = arith.constant 0 : i32
    %dma_wait3A_70 = tpu.memref_slice %arg6[%dma_wait3A_66, %dma_wait3A_67, %dma_wait3A_68, %dma_wait3A_69] : memref<2x2x128x128xf32, #tpu.memory_space<vmem>> -> memref<1x2x128x128xf32, #tpu.memory_space<vmem>>
    %dma_wait3A_71 = tpu.memref_squeeze %dma_wait3A_70 : memref<1x2x128x128xf32, #tpu.memory_space<vmem>> -> memref<2x128x128xf32, #tpu.memory_space<vmem>>
    %dma_wait3A_72 = arith.constant 0 : i32
    %dma_wait3A_73 = arith.constant 0 : i32
    %dma_wait3A_74 = arith.constant 0 : i32
    %dma_wait3A_75 = tpu.memref_slice %arg4[%dma_wait3A_72, %dma_wait3A_73, %dma_wait3A_74] : memref<6400x128x128xf32, #tpu.memory_space<hbm>> -> memref<2x128x128xf32, #tpu.memory_space<hbm>>
    %dma_wait3A_76 = arith.constant 0 : i32
    %dma_wait3A_77 = arith.constant 0 : i32
    %dma_wait3A_78 = arith.constant 0 : i32
    %dma_wait3A_79 = tpu.memref_slice %arg6[%dma_wait3A_66, %dma_wait3A_76, %dma_wait3A_77, %dma_wait3A_78] : memref<2x2x128x128xf32, #tpu.memory_space<vmem>> -> memref<1x2x128x128xf32, #tpu.memory_space<vmem>>
    %dma_wait3A_80 = tpu.memref_squeeze %dma_wait3A_79 : memref<1x2x128x128xf32, #tpu.memory_space<vmem>> -> memref<2x128x128xf32, #tpu.memory_space<vmem>>
    %dma_wait3A_81 = arith.constant 0 : i32
    %dma_wait3A_82 = arith.constant 0 : i32
    %dma_wait3A_83 = arith.constant 0 : i32
    %dma_wait3A_84 = tpu.memref_slice %arg4[%dma_wait3A_81, %dma_wait3A_82, %dma_wait3A_83] : memref<6400x128x128xf32, #tpu.memory_space<hbm>> -> memref<2x128x128xf32, #tpu.memory_space<hbm>>
    tpu.wait_dma2 semaphore(%arg10 : memref<!tpu.dma_semaphore, #tpu.memory_space<semaphore_mem>>) src(%dma_wait3A_84 : memref<2x128x128xf32, #tpu.memory_space<hbm>>) dst(%dma_wait3A_80 : memref<2x128x128xf32, #tpu.memory_space<vmem>>)
    return
  }
}

module attributes {stable_mosaic.version = 14 : i64} {
  func.func @_xpose_body(%arg0: i32, %arg1: memref<64x16384xf32, #tpu.memory_space<vmem>>, %arg2: memref<16384x128xf32, #tpu.memory_space<vmem>>) attributes {dimension_semantics = [#tpu.dimension_semantics<arbitrary>], iteration_bounds = array<i64: 62>, scalar_prefetch = 0 : i64, scratch_operands = 0 : i64, tpu.core_type = #tpu.core_type<tc>, window_params = [{transform_indices = @transform_0, window_bounds = array<i64: 64, 16384>}, {transform_indices = @transform_1, window_bounds = array<i64: 16384, 128>}]} {
    %get3A = arith.constant 0 : index
    %get3A_0 = arith.constant 0 : index
    %get3A_1 = vector.load %arg1[%get3A, %get3A_0] : memref<64x16384xf32, #tpu.memory_space<vmem>>, vector<64x16384xf32>
    %transpose3A = tpu.transpose %get3A_1, [1, 0] : vector<64x16384xf32> -> vector<16384x64xf32>
    %broadcast_in_dim3A = arith.constant 0.000000e+00 : f32
    %broadcast_in_dim3A_2 = vector.broadcast %broadcast_in_dim3A : f32 to vector<16384x64xf32>
    %concatenate3A = tpu.concatenate %transpose3A, %broadcast_in_dim3A_2 in 1 : vector<16384x64xf32>, vector<16384x64xf32> -> vector<16384x128xf32>
    %swap3A = arith.constant 0 : index
    %swap3A_3 = arith.constant 0 : index
    %swap3A_4 = vector.load %arg2[%swap3A, %swap3A_3] : memref<16384x128xf32, #tpu.memory_space<vmem>>, vector<16384x128xf32>
    tpu.vector_store %arg2[%swap3A, %swap3A_3], %concatenate3A {strides = array<i32>} : memref<16384x128xf32, #tpu.memory_space<vmem>>, vector<16384x128xf32>,
    return
  }
  func.func @transform_0(%arg0: i32) -> (i32, i32) {
    %c0_i32 = arith.constant 0 : i32
    %c0_i32_0 = arith.constant 0 : i32
    return %c0_i32, %arg0 : i32, i32
  }
  func.func @transform_1(%arg0: i32) -> (i32, i32) {
    %c0_i32 = arith.constant 0 : i32
    %c0_i32_0 = arith.constant 0 : i32
    return %arg0, %c0_i32 : i32, i32
  }
}

module attributes {stable_mosaic.version = 14 : i64} {
  func.func @_mask_body(%arg0: memref<4096x200xi32, #tpu.memory_space<vmem>>, %arg1: memref<4096x200xi32, #tpu.memory_space<vmem>>) attributes {dimension_semantics = [], scalar_prefetch = 0 : i64, scratch_operands = 0 : i64, tpu.core_type = #tpu.core_type<tc>} {
    %get3A = arith.constant 0 : index
    %get3A_0 = arith.constant 0 : index
    %get3A_1 = vector.load %arg0[%get3A, %get3A_0] : memref<4096x200xi32, #tpu.memory_space<vmem>>, vector<4096x200xi32>
    %ne3A = arith.constant 0 : i32
    %ne3A_2 = vector.broadcast %ne3A : i32 to vector<4096x200xi32>
    %ne3A_3 = arith.cmpi ne, %get3A_1, %ne3A_2 : vector<4096x200xi32>
    %convert_element_type3A = arith.extui %ne3A_3 : vector<4096x200xi1> to vector<4096x200xi32>
    %swap3A = arith.constant 0 : index
    %swap3A_4 = arith.constant 0 : index
    %swap3A_5 = vector.load %arg1[%swap3A, %swap3A_4] : memref<4096x200xi32, #tpu.memory_space<vmem>>, vector<4096x200xi32>
    tpu.vector_store %arg1[%swap3A, %swap3A_4], %convert_element_type3A {strides = array<i32>} : memref<4096x200xi32, #tpu.memory_space<vmem>>, vector<4096x200xi32>,
    return
  }
}

</mosaic_0001>

<sc_bundles>
// kernel: kernel.5.cloned.1.call-start
scs
__scs_entry_jumppad:
0x0: {  	(pc) =	sbr.rel $0x88, $3  }
0x1: {  	(tag) =	ssettag $0x0;
	lr =	simm.s32 $0x1  }
0x2: {  	[smem:$0x3F9F] =	sst lr;
	_ =	strace $0xD0000000  }
0x3: {  	_ = 	snop  }
0x4: {  	_ = 	snop  }
0x5: {  	_ = 	snop  }
0x6: {  	_ = 	snop  }
0x7: {  	_ = 	snop  }
__scs_overlays_trampoline_lowered:
0x8: {  	[smem:$0x3FAE] =	sst s0  }
0x9: {  	[smem:$0x3FAF] =	sst s1  }
0xa: {  	[smem:$0x3FB0] =	sst s2  }
0xb: {  	[smem:$0x3FB1] =	sst s3  }
0xc: {  	[smem:$0x3FB2] =	sst s4  }
0xd: {  	[smem:$0x3FB3] =	sst s5  }
0xe: {  	[smem:$0x3FB4] =	sst s6  }
0xf: {  	[smem:$0x3FB5] =	sst s7  }
0x10: {  	[smem:$0x3FB6] =	sst s8  }
0x11: {  	[smem:$0x3FB7] =	sst s9;
	s0 =	simm.s32 @!p0 $0x0  }
0x12: {  	s1 =	sld [smem:$0x3F9D];
	s0 =	simm.s32 @p0 $0x1  }
0x13: {  	[smem:$0x3FB8] =	sst s0;
	s0 =	simm.s32 @!p1 $0x0  }
0x14: {  	s2 =	sld [smem:$0x3F9C];
	s0 =	simm.s32 @p1 $0x1  }
0x15: {  	[smem:$0x3FB9] =	sst s0;
	s0 =	simm.s32 @!p2 $0x0  }
0x16: {  	s3 =	sld [smem:$0x3FDB];
	s0 =	simm.s32 @p2 $0x1  }
0x17: {  	s4 =	simm.s32 $0x1BF5;
	[smem:$0x3FBB] =	sst s0  }
0x18: {  	s0 =	sld [smem:$0x3F9E];
	_ =	swait.ge [sflag:s4], $0x0  }
0x19: {  	s7 =	sld [smem:$0x3F9F]  }
0x1a: {  	s8 =	sadd.s32 $0xFFFFE003, lr  }
0x1b: {  	s9 =	sadd.s32 $0xFFFFFEF7, lr;
	s5 =	simm.s32 $0xFFFFFFFF;
	p2 =	slt.u32 s8, $0xFFFFF086  }
0x1c: {  	p1 =	slt.u32 s9, $0xF7A;
	s5 =	simm.s32 @!p2 $0x0  }
0x1d: {  	s5 =	simm.s32 @p1 $0x1;
	p0 =	seq.s32 s7, s2  }
0x1e: {  	s7 =	smul.u32 @!p0 $0xF7A, s2;
	p2 =	seq.s32 @!p0 s5, $0x0  }
0x1f: {  	s9 =	smul.u32 $0xF7A, s1;
	s8 =	simm.s32 @!p0 $0x1BF5;
	p2 =	por !p2, p0  }
0x20: {  	[sflag:s8] =	ssyncset.s32 @!p0 $0xFFFFF086;
	s6 =	sadd.s32 @!p0 s3, s7;
	s7 =	simm.s32 @!p0 $0x108  }
0x21: {  	s3 =	sadd.s32 s3, s9;
	s6 =	sadd.s32 @!p0 $0x88, s6;
	s7 =	simm.s32 @p2 $0x1082  }
0x22: {  	[simem:s7], [sflag:s8] =	dma.local @!p0 [hbm:s6], $0xF7A  }
0x23: {  	s9 =	sor.u32 $0xD0000000, s2;
	s6 =	simm.s32 $0x108;
	_ =	swait.ge @!p0 [sflag:s8], $0x0  }
0x24: {  	s3 =	sadd.s32 $0x88, s3;
	s6 =	simm.s32 @!p1 $0x1082;
	[sflag:s4] =	ssyncset.s32 $0xFFFFF086  }
0x25: {  	[simem:s6], [sflag:s4] =	dma.local [hbm:s3], $0xF7A  }
0x26: {  	[smem:$0x3F9F] =	sst s1;
	(tag) =	ssettag s2;
	_ =	strace s9  }
0x27: {  	s1 =	sld [smem:$0x3FAF]  }
0x28: {  	s2 =	sld [smem:$0x3FB0]  }
0x29: {  	s4 =	sld [smem:$0x3FB2]  }
0x2a: {  	p0 =	seq.s32 s5, $0x0;
	s5 =	sld [smem:$0x3FB3]  }
0x2b: {  	s6 =	sld [smem:$0x3FB4]  }
0x2c: {  	s7 =	sld [smem:$0x3FB5]  }
0x2d: {  	s3 =	simm.s32 $0x108;
	s8 =	sld [smem:$0x3FB6]  }
0x2e: {  	s3 =	simm.s32 @!p0 $0x1082;
	s9 =	sld [smem:$0x3FB7]  }
0x2f: {  	lr =	sadd.s32 s0, s3;
	s0 =	sld [smem:$0x3FAE]  }
0x30: {  	s3 =	sld [smem:$0x3FB1]  }
0x31: {  	[smem:$0x3FBA] =	sst s10  }
0x32: {  	s10 =	sld [smem:$0x3FB8];
	_ =	sdelay $0x3  }
0x33: {  	p0 =	seq.s32 s10, $0x1;
	s10 =	sld [smem:$0x3FBA];
	_ =	sdelay $0x3  }
0x34: {  	[smem:$0x3FBA] =	sst s10  }
0x35: {  	s10 =	sld [smem:$0x3FB9];
	_ =	sdelay $0x3  }
0x36: {  	p1 =	seq.s32 s10, $0x1;
	s10 =	sld [smem:$0x3FBA];
	_ =	sdelay $0x3  }
0x37: {  	[smem:$0x3FBA] =	sst s10  }
0x38: {  	s10 =	sld [smem:$0x3FBB]  }
0x39: {  	_ = 	snop;
	(pc) =	sbr.ind lr, $3  }
0x3a: {  	_ = 	snop  }
0x3b: {  	_ = 	snop  }
0x3c: {  	p2 =	seq.s32 s10, $0x1;
	s10 =	sld [smem:$0x3FBA]  }
0x3d: {  	_ =	shalt  }
0x3e: {  	_ =	shalt  }
0x3f: {  	_ =	shalt  }
0x40: {  	_ =	shalt  }
0x41: {  	_ =	shalt  }
0x42: {  	_ =	shalt  }
0x43: {  	_ =	shalt  }
0x44: {  	_ =	shalt  }
0x45: {  	_ =	shalt  }
0x46: {  	_ =	shalt  }
0x47: {  	_ =	shalt  }
0x48: {  	_ =	shalt  }
0x49: {  	_ =	shalt  }
0x4a: {  	_ =	shalt  }
0x4b: {  	_ =	shalt  }
0x4c: {  	_ =	shalt  }
0x4d: {  	_ =	shalt  }
0x4e: {  	_ =	shalt  }
0x4f: {  	_ =	shalt  }
0x50: {  	_ =	shalt  }
0x51: {  	_ =	shalt  }
0x52: {  	_ =	shalt  }
0x53: {  	_ =	shalt  }
0x54: {  	_ =	shalt  }
0x55: {  	_ =	shalt  }
0x56: {  	_ =	shalt  }
0x57: {  	_ =	shalt  }
0x58: {  	_ =	shalt  }
0x59: {  	_ =	shalt  }
0x5a: {  	_ =	shalt  }
0x5b: {  	_ =	shalt  }
0x5c: {  	_ =	shalt  }
0x5d: {  	_ =	shalt  }
0x5e: {  	_ =	shalt  }
0x5f: {  	_ =	shalt  }
0x60: {  	_ =	shalt  }
0x61: {  	_ =	shalt  }
0x62: {  	_ =	shalt  }
0x63: {  	_ =	shalt  }
0x64: {  	_ =	shalt  }
0x65: {  	_ =	shalt  }
0x66: {  	_ =	shalt  }
0x67: {  	_ =	shalt  }
0x68: {  	_ =	shalt  }
0x69: {  	_ =	shalt  }
0x6a: {  	_ =	shalt  }
0x6b: {  	_ =	shalt  }
0x6c: {  	_ =	shalt  }
0x6d: {  	_ =	shalt  }
0x6e: {  	_ =	shalt  }
0x6f: {  	_ =	shalt  }
0x70: {  	_ =	shalt  }
0x71: {  	_ =	shalt  }
0x72: {  	_ =	shalt  }
0x73: {  	_ =	shalt  }
0x74: {  	_ =	shalt  }
0x75: {  	_ =	shalt  }
0x76: {  	_ =	shalt  }
0x77: {  	_ =	shalt  }
0x78: {  	_ =	shalt  }
0x79: {  	_ =	shalt  }
0x7a: {  	_ =	shalt  }
0x7b: {  	_ =	shalt  }
0x7c: {  	_ =	shalt  }
0x7d: {  	_ =	shalt  }
0x7e: {  	_ =	shalt  }
0x7f: {  	_ =	shalt  }
0x80: {  	_ =	shalt  }
0x81: {  	_ =	shalt  }
0x82: {  	_ =	shalt  }
0x83: {  	_ =	shalt  }
0x84: {  	_ =	shalt  }
0x85: {  	_ =	shalt  }
0x86: {  	_ =	shalt  }
0x87: {  	_ =	shalt  }
.Lfunc_end0:
.L_simem_size_0:
called_computation.1_lowered:
.L_overlay_start_0:
0x88: {  	s2 =	sld [smem:$0x3FD9]  }
0x89: {  	s3 =	sld [smem:$0x3FFE];
	_ =	sdelay $0x1  }
0x8a: {  	s1 =	srdreg.scid  }
0x8b: {  	s0 =	sand.u32 $0x1, s1  }
0x8c: {  	s14 =	sshll.u32 s0, $0xA;
	s2 =	sadd.s32 s3, s2  }
0x8d: {  	s2 =	sadd.s32 s2, s14  }
0x8e: {  	[smem:$0x3FC6] =	sst s2  }
0x8f: {  	_ = 	snop  }
0x90: {  	s2 =	sld [smem:$0x3FD0];
	_ =	sdelay $0x2  }
0x91: {  	s15 =	simm.s32 $0xA;
	s4 =	simm.s32 $0x10  }
0x92: {  	[smem:s4], [sflag:s15] =	dma.local [hbm:s2], $0x1  }
0x93: {  	_ =	swait.eq [sflag:s15], $0x1  }
0x94: {  	[sflag:s15] =	ssyncset.done $0x0  }
0x95: {  	[sflag:s15] =	ssyncadd.s32 $0xFFFFFFFF  }
0x96: {  	s16 =	sld [smem:$0x11];
	(tm) =	ssettm $0x1  }
0x97: {  	s17 =	sld [smem:$0x3FFB];
	_ =	sdelay $0x3  }
0x98: {  	_ =	strace s17  }
0x99: {  	s3 =	sld [smem:$0x3FFC];
	_ =	sdelay $0x3  }
0x9a: {  	_ =	strace s3  }
0x9b: {  	s3 =	sld [smem:$0x3FFD];
	_ =	sdelay $0x3  }
0x9c: {  	_ =	strace s3  }
0x9d: {  	_ =	strace $0x8FFFFFFF  }
0x9e: {  	s18 =	sld [smem:$0x3FDB];
	_ =	sdelay $0x1  }
0x9f: {  	s19 =	simm.s32 $_scs_section_size  }
0xa0: {  	s5 =	simm.s32 $_size__tile_overlayer_lowered;
	s6 =	simm.s32 $_tile_overlayer_lowered  }
0xa1: {  	s22 =	simm.s32 $0x1BFF;
	s21 =	sshll.u32 s6, $0x1;
	s3 =	sadd.s32 s19, s18  }
0xa2: {  	s7 =	simm.s32 $0x0;
	s20 =	sshll.u32 s5, $0x1;
	s5 =	sadd.s32 s21, s3  }
0xa3: {  	[timem:s7], [sflag:s22] =	dma.local [hbm:s5], s20  }
0xa4: {  	_ =	swait.ge [sflag:s22], s20  }
0xa5: {  	s4 =	ssub.s32 $0x0, s20;
	[sflag:s22] =	ssyncset.done $0x0  }
0xa6: {  	[sflag:s22] =	ssyncadd.s32 s4;
	_ =	sdelay $0x1  }
0xa7: {  	s23 =	simm.s32 $0x1B8B  }
0xa8: {  	_ =	swait.ge [sflag:s23], $0x1  }
0xa9: {  	[sflag:s23] =	ssyncset.done $0x0  }
0xaa: {  	s25 =	simm.s32 $0x1B8E;
	s24 =	sld [smem:$0x3FFE];
	[sflag:s23] =	ssyncadd.s32 $0xFFFFFFFF  }
0xab: {  	s26 =	simm.s32 $execute0_lowered;
	[smem:$0x3FD2] =	sst s25  }
0xac: {  	s5 =	sshll.u32 s26, $0x1;
	_ =	strace $0x80000046;
	[dreg:$0x1] =	wrdreg $0xFFFFFFFF  }
0xad: {  	s28 =	simm.s32 $_size_execute0_lowered;
	s3 =	sadd.s32 s3, s5;
	[dreg:$0x0] =	wrdreg $0x0  }
0xae: {  	s5 =	sshll.u32 s28, $0x1;
	[dreg:$0x2] =	wrdreg s3  }
0xaf: {  	[dreg:$0x3] =	wrdreg s5  }
0xb0: {  	[dreg:$0x4] =	wrdreg $0xC0  }
0xb1: {  	_ =	task [dreg:s7], $0x5FFFF  }
0xb2: {  	[dreg:$0x1] =	wrdreg $0xFFFFFFFF  }
0xb3: {  	[dreg:$0x0] =	wrdreg $0x60  }
0xb4: {  	[dreg:$0x2] =	wrdreg s16  }
0xb5: {  	[dreg:$0x3] =	wrdreg s24  }
0xb6: {  	[dreg:$0x4] =	wrdreg $0x9  }
0xb7: {  	_ =	task.clear_ibuf [dreg:s7], $0x5FFFF;
	_ =	strace $0x90000046  }
0xb8: {  	s29 =	simm.s32 $0x9;
	_ =	strace $0x80000048  }
0xb9: {  	_ =	swait.ge [sflag:s29], $0x1  }
0xba: {  	[sflag:s29] =	ssyncadd.s32 $0xFFFFFFFF  }
0xbb: {  	_ =	strace $0x90000048  }
0xbc: {  	_ =	sfence  }
0xbd: {  	s30 =	sld [smem:$0x0];
	_ =	sdelay $0x2  }
0xbe: {  	s31 =	sshll.u32 s1, $0xD;
	s1 =	sshrl.u32 s1, $0x2  }
0xbf: {  	s3 =	sand.u32 $0x4000, s31;
	s1 =	sadd.s32 s1, s30  }
0xc0: {  	s0 =	sor.u32 s3, s0;
	s1 =	sshll.u32 s1, $0x11  }
0xc1: {  	s0 =	sor.u32 s1, s0  }
0xc2: {  	s0 =	sadd.s32 $0x8F2B, s0  }
0xc3: {  	[sflag:s0] =	ssyncadd.remote.s32 $0x1  }
0xc4: {  	_ =	sfence.sel $0xFFFF  }
0xc5: {  	[dreg:$0x0] =	wrdreg $0xFFFFFFFF;
	(pc) =	sbr.abs _section_cstart, $3  }
0xc6: {  	[dreg:$0x1] =	wrdreg $0xFFFFFFFF  }
0xc7: {  	_ =	task.clear_ibuf [dreg:s7], $0x2FFFF;
	_ =	strace $0x9FFFFFFF  }
0xc8: {  	(tm) =	ssettm $0x7FFFFFFF  }
0xc9: {  	_ =	shalt  }
tec
execute0_lowered:
.L_overlay_start_1:
0x0: {  	(tag) =	ssettag $0x1  }
0x1: {  	s0 =	srdreg.scid;
	s15 =	stileid.u32  }
0x2: {  	s1 =	rddreg [dreg:$0x0];
	s10 =	smul.u32 $0x640000, s15  }
0x3: {  	s4 =	rddreg [dreg:$0x1];
	s13 =	smul.u32 $0x190, s15  }
0x4: {  	s0 =	sand.u32 $0x1, s0;
	s2 =	sshll.u32 s15, $0x1;
	s15 =	smul.u32 $0xC800, s15  }
0x5: {  	s16 =	simm.s32 $0x4800;
	s18 =	simm.s32 $0x8800;
	s12 =	smul.u32 $0x320000, s0  }
0x6: {  	s20 =	simm.s32 $0xC800;
	s21 =	simm.s32 $0x3;
	s14 =	smul.u32 $0xC8, s0  }
0x7: {  	s3 =	sor.u32 s0, s2;
	s8 =	ssub.s32 $0x2, s0;
	s0 =	smul.u32 $0x6400, s0  }
0x8: {  	s24 =	simm.s32 $0x2;
	s25 =	simm.s32 $0x4;
	s5 =	smul.u32 $0xC80, s3  }
0x9: {  	s30 =	simm.s32 $0x0;
	s2 =	simm.s32 $0x0;
	s6 =	smul.u32 $0x320000, s3  }
0xa: {  	s11 =	sadd.s32 $0xF63400, s4;
	[smem:$0x7FF] =	sst s2;
	s7 =	smul.u32 $0x64000, s3  }
0xb: {  	s3 =	sadd.s32 $0x20C00, s4;
	s26 =	sshrl.u32 s8, $0x1;
	_ =	strace $0x80000047  }
0xc: {  	s8 =	ssub.s32 s8, s26;
	s10 =	sadd.s32 s12, s10;
	s31 =	sadd.s32 s14, s13  }
0xd: {  	s0 =	sadd.s32 s0, s15;
	s13 =	simm.s32 $0x5;
	s14 =	simm.s32 $0x80  }
0xe: {  	s15 =	simm.s32 $0x800;
	s26 =	simm.s32 $0x1;
	s28 =	sadd.s32 s1, s5  }
0xf: {  	s29 =	smax.u32 s8, $0x1;
	s6 =	sshrl.u32 s6, $0x3;
	s9 =	sadd.s32 s11, s7  }
0x10: {  	s10 =	sor.u32 $0x10000, s10;
	s12 =	sshll.u32 s31, $0xB;
	[dreg:$0x3] =	wrdreg s28  }
0x11: {  	s0 =	sadd.s32 $0x400, s0;
	[dreg:$0x4] =	wrdreg s29;
	s6 =	sadd.s32 s11, s6  }
0x12: {  	s7 =	sadd.s32 $0x1000, s9;
	s9 =	sadd.s32 $0x63000, s9;
	s10 =	sshrl.u32 s10, $0x3  }
0x13: {  	s12 =	sadd.s32 s12, s11;
	s0 =	sshrl.u32 s0, $0x3;
	s8 =	sadd.s32 $0x62000, s6  }
0x14: {  	s10 =	sadd.s32 s10, s11;
	s23 =	sadd.s32 $0x3000, s12;
	s12 =	sadd.s32 s0, s1  }
.LBB2_1:
0x15: {  	s0 =	rddreg [dreg:$0x3]  }
0x16: {  	[tilespmem:s2], [sflag:$0x5] =	stream.linear.gather [hbm4b:s0+s2], $0x400, $0x38;
	[tilespmem:$0x10800] =	vst v63  }
0x17: {  	_ =	swait.ge [sflag:s13], $0x400  }
0x18: {  	[sflag:s13] =	ssyncset.done $0x0  }
0x19: {  	[sflag:s13] =	ssyncadd.s32 $0xFFFFFC00  }
0x1a: {  	[tilespmem:s15], [sflag:$0x1] =	stream.indirect.gather [hbm4b:s3+s14], $0x80, s2, s14, $0xb8;
	[tilespmem:$0x10800] =	vst v63  }
0x1b: {  	_ = 	snop  }
0x1c: {  	[tilespmem:s16], [sflag:$0x1] =	stream.indirect.gather [hbm4b:s3+s14], $0x80, s14, s14, $0xb8;
	[tilespmem:$0x10800] =	vst v63  }
0x1d: {  	s5 =	simm.s32 $0x100  }
0x1e: {  	[tilespmem:s18], [sflag:$0x2] =	stream.indirect.gather [hbm4b:s3+s14], $0x80, s5, s14, $0xb8;
	[tilespmem:$0x10800] =	vst v63  }
0x1f: {  	s11 =	simm.s32 $0x180  }
0x20: {  	[tilespmem:s20], [sflag:$0x2] =	stream.indirect.gather [hbm4b:s3+s14], $0x80, s11, s14, $0xb8;
	[tilespmem:$0x10800] =	vst v63  }
0x21: {  	_ =	swait.ge [sflag:s26], $0x8000  }
0x22: {  	[sflag:s26] =	ssyncset.done $0x0  }
0x23: {  	[sflag:s26] =	ssyncadd.s32 $0xFFFF8000  }
0x24: {  	[hbm4b:s6+s2] =	stream.linear.scatter [tilespmem:s15], [sflag:$0x3], $0x8000, $0x38;
	[tilespmem:$0x10800] =	vst v63  }
0x25: {  	_ =	swait.ge [sflag:s21], $0x8000  }
0x26: {  	[sflag:s21] =	ssyncset.done $0x0  }
0x27: {  	s17 =	simm.s32 $0x200;
	[sflag:s21] =	ssyncadd.s32 $0xFFFF8000  }
0x28: {  	[tilespmem:s15], [sflag:$0x1] =	stream.indirect.gather [hbm4b:s3+s14], $0x80, s17, s14, $0xb8;
	[tilespmem:$0x10800] =	vst v63  }
0x29: {  	s19 =	simm.s32 $0x280  }
0x2a: {  	[tilespmem:s16], [sflag:$0x1] =	stream.indirect.gather [hbm4b:s3+s14], $0x80, s19, s14, $0xb8;
	[tilespmem:$0x10800] =	vst v63  }
0x2b: {  	_ =	swait.ge [sflag:s24], $0x8000  }
0x2c: {  	[sflag:s24] =	ssyncset.done $0x0  }
0x2d: {  	s22 =	simm.s32 $0xC00;
	[sflag:s24] =	ssyncadd.s32 $0xFFFF8000  }
0x2e: {  	[hbm4b:s7+s2] =	stream.linear.scatter [tilespmem:s18], [sflag:$0x4], $0x8000, $0x38;
	[tilespmem:$0x10800] =	vst v63  }
0x2f: {  	s1 =	simm.s32 $0x200;
	s0 =	sand.u32 $0xC00, s22;
	_ =	swait.ge [sflag:s25], $0x8000  }
0x30: {  	s1 =	sand.u32 $0x400, s1;
	s0 =	sshrl.u32 s0, $0x2;
	[sflag:s25] =	ssyncset.done $0x0  }
0x31: {  	s0 =	sor.u32 s0, s1;
	[sflag:s25] =	ssyncadd.s32 $0xFFFF8000  }
0x32: {  	[tilespmem:s18], [sflag:$0x2] =	stream.indirect.gather [hbm4b:s3+s14], $0x80, s0, s14, $0xb8;
	[tilespmem:$0x10800] =	vst v63  }
0x33: {  	s0 =	sor.u32 $0x80, s0  }
0x34: {  	[tilespmem:s20], [sflag:$0x2] =	stream.indirect.gather [hbm4b:s3+s14], $0x80, s0, s14, $0xb8;
	[tilespmem:$0x10800] =	vst v63  }
0x35: {  	_ =	swait.ge [sflag:s26], $0x8000  }
0x36: {  	s28 =	sand.u32 $0x1, s26;
	[sflag:s26] =	ssyncset.done $0x0  }
0x37: {  	p0 =	seq.s32 s28, $0x0;
	s1 =	simm.s32 $0x400;
	[sflag:s26] =	ssyncadd.s32 $0xFFFF8000  }
0x38: {  	[hbm4b:s10+s2] =	stream.linear.scatter [tilespmem:s15], [sflag:$0x3], $0x8000, $0x38;
	[tilespmem:$0x10800] =	vst v63  }
0x39: {  	s11 =	simm.s32 @!p0 $0x0;
	s17 =	simm.s32 @!p0 $0x5;
	s0 =	sand.u32 @!p0 $0x400, s1  }
0x3a: {  	[tilespmem:s0], [sflag:$0x5] =	stream.linear.gather @!p0 [hbm4b:s12+s11], $0x400, $0x38;
	[tilespmem:$0x10800] =	vst v63  }
0x3b: {  	_ =	swait.ge @!p0 [sflag:s17], $0x400  }
0x3c: {  	[sflag:s17] =	ssyncset.done @!p0 $0x0  }
0x3d: {  	s29 =	simm.s32 $0x1000;
	[sflag:s17] =	ssyncadd.s32 @!p0 $0xFFFFFC00  }
0x3e: {  	s0 =	sand.u32 $0x800, s29;
	_ =	swait.ge [sflag:s21], $0x8000  }
0x3f: {  	s1 =	sand.u32 $0x400, s1;
	s0 =	sshrl.u32 s0, $0x2;
	[sflag:s21] =	ssyncset.done $0x0  }
0x40: {  	s31 =	simm.s32 $0x600;
	s0 =	sor.u32 s0, s1;
	[sflag:s21] =	ssyncadd.s32 $0xFFFF8000  }
0x41: {  	[tilespmem:s15], [sflag:$0x1] =	stream.indirect.gather [hbm4b:s3+s14], $0x80, s0, s14, $0xb8;
	[tilespmem:$0x10800] =	vst v63  }
0x42: {  	s22 =	simm.s32 $0x1800;
	s19 =	simm.s32 $0x2;
	s0 =	sor.u32 $0x80, s0  }
0x43: {  	[tilespmem:s16], [sflag:$0x1] =	stream.indirect.gather [hbm4b:s3+s14], $0x80, s0, s14, $0xb8;
	[tilespmem:$0x10800] =	vst v63  }
0x44: {  	s11 =	smov.u32 s23;
	s1 =	sadd.s32 $0x40, s12;
	_ =	swait.ge [sflag:s24], $0x8000  }
0x45: {  	s17 =	sadd.s32 $0x2000, s23;
	s0 =	sadd.s32 $0x2000, s10;
	[sflag:s24] =	ssyncset.done $0x0  }
.LBB2_2:
0x46: {  	s28 =	sadd.s32 $0xFFFFFC00, s22  }
0x47: {  	[sflag:s24] =	ssyncadd.s32 $0xFFFF8000;
	s29 =	smov.u32 s31;
	s31 =	sadd.s32 $0x200, s31  }
0x48: {  	[hbm4b:s11+s2] =	stream.linear.scatter [tilespmem:s18], [sflag:$0x4], $0x8000, $0x38;
	[tilespmem:$0x10800] =	vst v63  }
0x49: {  	s11 =	sadd.s32 $0xFFFFFE00, s29;
	s28 =	sand.u32 $0xC00, s28;
	_ =	swait.ge [sflag:s25], $0x8000  }
0x4a: {  	s11 =	sand.u32 $0x400, s11;
	s28 =	sshrl.u32 s28, $0x2;
	[sflag:s25] =	ssyncset.done $0x0  }
0x4b: {  	p0 =	sne.s32 s31, $0x6400;
	s11 =	sor.u32 s28, s11;
	[sflag:s25] =	ssyncadd.s32 $0xFFFF8000  }
0x4c: {  	[tilespmem:s18], [sflag:$0x2] =	stream.indirect.gather [hbm4b:s3+s14], $0x80, s11, s14, $0xb8;
	[tilespmem:$0x10800] =	vst v63  }
0x4d: {  	s28 =	sor.u32 $0x80, s11;
	s11 =	smov.u32 s17  }
0x4e: {  	[tilespmem:s20], [sflag:$0x2] =	stream.indirect.gather [hbm4b:s3+s14], $0x80, s28, s14, $0xb8;
	[tilespmem:$0x10800] =	vst v63  }
0x4f: {  	_ =	swait.ge [sflag:s26], $0x8000  }
0x50: {  	[sflag:s26] =	ssyncset.done $0x0  }
0x51: {  	s28 =	sand.u32 $0x1, s19;
	[sflag:s26] =	ssyncadd.s32 $0xFFFF8000  }
0x52: {  	[hbm4b:s0+s2] =	stream.linear.scatter [tilespmem:s15], [sflag:$0x3], $0x8000, $0x38;
	[tilespmem:$0x10800] =	vst v63  }
0x53: {  	p1 =	seq.s32 s28, $0x0  }
0x54: {  	s28 =	sand.u32 @!p1 $0x400, s29;
	s4 =	simm.s32 @!p1 $0x0;
	s5 =	simm.s32 @!p1 $0x5  }
0x55: {  	[tilespmem:s28], [sflag:$0x5] =	stream.linear.gather @!p1 [hbm4b:s1+s4], $0x400, $0x38;
	[tilespmem:$0x10800] =	vst v63  }
0x56: {  	_ =	swait.ge @!p1 [sflag:s5], $0x400  }
0x57: {  	[sflag:s5] =	ssyncset.done @!p1 $0x0  }
0x58: {  	s4 =	sand.u32 $0x800, s22;
	[sflag:s5] =	ssyncadd.s32 @!p1 $0xFFFFFC00  }
0x59: {  	s4 =	sshrl.u32 s4, $0x2;
	s5 =	sand.u32 $0x400, s29;
	_ =	swait.ge [sflag:s21], $0x8000  }
0x5a: {  	s4 =	sor.u32 s4, s5;
	[sflag:s21] =	ssyncset.done $0x0  }
0x5b: {  	s5 =	sor.u32 $0x80, s4;
	[sflag:s21] =	ssyncadd.s32 $0xFFFF8000  }
0x5c: {  	[tilespmem:s15], [sflag:$0x1] =	stream.indirect.gather [hbm4b:s3+s14], $0x80, s4, s14, $0xb8;
	[tilespmem:$0x10800] =	vst v63  }
.Ltmp0:
0x5d: {  	_ = 	snop;
	(pc) =	sbr.rel @p0 .LBB2_2-.Ltmp0, $4  }
0x5e: {  	s1 =	sadd.s32 $0x40, s1  }
0x5f: {  	[tilespmem:s16], [sflag:$0x1] =	stream.indirect.gather [hbm4b:s3+s14], $0x80, s5, s14, $0xb8;
	[tilespmem:$0x10800] =	vst v63  }
0x60: {  	s17 =	sadd.s32 $0x2000, s17;
	s0 =	sadd.s32 $0x2000, s0;
	_ =	swait.ge [sflag:s24], $0x8000  }
0x61: {  	s19 =	sadd.s32 $0x1, s19;
	s22 =	sadd.s32 $0x800, s22;
	[sflag:s24] =	ssyncset.done $0x0  }
0x62: {  	[sflag:s24] =	ssyncadd.s32 $0xFFFF8000  }
0x63: {  	[hbm4b:s11+s2] =	stream.linear.scatter [tilespmem:s18], [sflag:$0x4], $0x8000, $0x38;
	[tilespmem:$0x10800] =	vst v63  }
0x64: {  	_ =	swait.ge [sflag:s25], $0x8000  }
0x65: {  	[sflag:s25] =	ssyncset.done $0x0  }
0x66: {  	s0 =	simm.s32 $0x300;
	[sflag:s25] =	ssyncadd.s32 $0xFFFF8000  }
0x67: {  	[tilespmem:s18], [sflag:$0x2] =	stream.indirect.gather [hbm4b:s3+s14], $0x80, s0, s14, $0xb8;
	[tilespmem:$0x10800] =	vst v63  }
0x68: {  	s29 =	simm.s32 $0x380  }
0x69: {  	[tilespmem:s20], [sflag:$0x2] =	stream.indirect.gather [hbm4b:s3+s14], $0x80, s29, s14, $0xb8;
	[tilespmem:$0x10800] =	vst v63  }
0x6a: {  	_ =	swait.ge [sflag:s26], $0x8000  }
0x6b: {  	[sflag:s26] =	ssyncset.done $0x0  }
0x6c: {  	[sflag:s26] =	ssyncadd.s32 $0xFFFF8000  }
0x6d: {  	[hbm4b:s8+s2] =	stream.linear.scatter [tilespmem:s15], [sflag:$0x3], $0x8000, $0x38;
	[tilespmem:$0x10800] =	vst v63  }
0x6e: {  	_ =	swait.ge [sflag:s24], $0x8000  }
0x6f: {  	[sflag:s24] =	ssyncset.done $0x0  }
0x70: {  	[sflag:s24] =	ssyncadd.s32 $0xFFFF8000  }
0x71: {  	[hbm4b:s9+s2] =	stream.linear.scatter [tilespmem:s18], [sflag:$0x4], $0x8000, $0x38;
	[tilespmem:$0x10800] =	vst v63  }
0x72: {  	_ =	swait.ge [sflag:s21], $0x8000  }
0x73: {  	[sflag:s21] =	ssyncset.done $0x0  }
0x74: {  	[sflag:s21] =	ssyncadd.s32 $0xFFFF8000  }
0x75: {  	_ =	swait.ge [sflag:s25], $0x8000  }
0x76: {  	s30 =	sadd.s32 $0x1, s30;
	s31 =	rddreg [dreg:$0x4]  }
0x77: {  	p0 =	sne.s32 s30, s31  }
.Ltmp1:
0x78: {  	_ = 	snop;
	(pc) =	sbr.rel @p0 .LBB2_1-.Ltmp1, $3  }
0x79: {  	_ =	sdelay $0x1  }
0x7a: {  	[sflag:s25] =	ssyncset.done $0x0  }
0x7b: {  	[sflag:s25] =	ssyncadd.s32 $0xFFFF8000  }
0x7c: {  	_ =	sfence.sel $0x180000  }
0x7d: {  	[bflag:$0x0] =	sbarrier.arrive $0xFFFF  }
0x7e: {  	_ =	strace $0x90000047  }
0x7f: {  	s0 =	stileid.u32;
	[bflag:$0x2] =	sbarrier.arrive $0xFFFF  }
0x80: {  	p0 =	sne.s32 s0, $0x0;
	s0 =	rddreg [dreg:$0x2]  }
0x81: {  	s0 =	sadd.s32 @!p0 $0x100000, s0  }
0x82: {  	[sflag:s0] =	ssyncadd.tile.s32 @!p0 $0x1;
	_ =	shalt  }
.Lfunc_end2:
_tile_overlayer_lowered:
.L_overlay_start_2:
0x83: {  	(tag) =	ssettag $0x2  }
0x84: {  	s0 =	rddreg [dreg:$0x0];
	s2 =	stileid.u32  }
0x85: {  	s1 =	rddreg [dreg:$0x1];
	p0 =	sne.s32 s2, $0x0  }
0x86: {  	s3 =	rddreg [dreg:$0x2];
	[bflag:$0x3] =	sbarrier.arrive $0xFFFF;
	s2 =	simm.s32 @!p0 $0x1C05  }
0x87: {  	[timem:s3], [sflag:s2] =	dma.local @!p0 [hbm:s0], s1  }
0x88: {  	s0 =	simm.s32 @!p0 $0x5  }
0x89: {  	_ =	swait.ge @!p0 [sflag:s0], s1  }
0x8a: {  	s1 =	ssub.s32 @!p0 $0x0, s1;
	[sflag:s0] =	ssyncset.done @!p0 $0x0  }
0x8b: {  	[sflag:s0] =	ssyncadd.s32 @!p0 s1  }
0x8c: {  	[bflag:$0x3] =	sbarrier.arrive $0xFFFF  }
0x8d: {  	_ =	shalt  }

// kernel: sparse-core-data-format-call.cloned.1.call-start
scs
called_computation_lowered:
.L_overlay_start_0:
0x0: {  	s2 =	sld [smem:$0x3FD9]  }
0x1: {  	s3 =	sld [smem:$0x3FFE];
	_ =	sdelay $0x1  }
0x2: {  	s1 =	srdreg.scid  }
0x3: {  	s0 =	sand.u32 $0x1, s1  }
0x4: {  	s15 =	sshll.u32 s0, $0xA;
	s2 =	sadd.s32 s3, s2  }
0x5: {  	s2 =	sadd.s32 s2, s15  }
0x6: {  	[smem:$0x3FC6] =	sst s2  }
0x7: {  	_ = 	snop  }
0x8: {  	s2 =	sld [smem:$0x3FD0];
	_ =	sdelay $0x2  }
0x9: {  	s16 =	simm.s32 $0xA;
	s4 =	simm.s32 $0x10  }
0xa: {  	[smem:s4], [sflag:s16] =	dma.local [hbm:s2], $0x1  }
0xb: {  	_ =	swait.eq [sflag:s16], $0x1  }
0xc: {  	[sflag:s16] =	ssyncset.done $0x0  }
0xd: {  	[sflag:s16] =	ssyncadd.s32 $0xFFFFFFFF  }
0xe: {  	s17 =	sld [smem:$0x10];
	(tm) =	ssettm $0x1  }
0xf: {  	s18 =	sld [smem:$0x3FFB];
	_ =	sdelay $0x3  }
0x10: {  	_ =	strace s18  }
0x11: {  	s3 =	sld [smem:$0x3FFC];
	_ =	sdelay $0x3  }
0x12: {  	_ =	strace s3  }
0x13: {  	s3 =	sld [smem:$0x3FFD];
	_ =	sdelay $0x3  }
0x14: {  	_ =	strace s3  }
0x15: {  	_ =	strace $0x8FFFFFFF  }
0x16: {  	s19 =	sld [smem:$0x3FDB];
	_ =	sdelay $0x1  }
0x17: {  	s20 =	simm.s32 $_scs_section_size  }
0x18: {  	s5 =	simm.s32 $_size__tile_overlayer_lowered;
	s6 =	simm.s32 $_tile_overlayer_lowered  }
0x19: {  	s23 =	simm.s32 $0x1BFF;
	s22 =	sshll.u32 s6, $0x1;
	s3 =	sadd.s32 s20, s19  }
0x1a: {  	s7 =	simm.s32 $0x0;
	s21 =	sshll.u32 s5, $0x1;
	s5 =	sadd.s32 s22, s3  }
0x1b: {  	[timem:s7], [sflag:s23] =	dma.local [hbm:s5], s21  }
0x1c: {  	_ =	swait.ge [sflag:s23], s21  }
0x1d: {  	s4 =	ssub.s32 $0x0, s21;
	[sflag:s23] =	ssyncset.done $0x0  }
0x1e: {  	[sflag:s23] =	ssyncadd.s32 s4;
	_ =	sdelay $0x1  }
0x1f: {  	s24 =	simm.s32 $0x1B8B  }
0x20: {  	_ =	swait.ge [sflag:s24], $0x1  }
0x21: {  	[sflag:s24] =	ssyncset.done $0x0  }
0x22: {  	s26 =	simm.s32 $0x1B8E;
	s25 =	sld [smem:$0x3FFE];
	[sflag:s24] =	ssyncadd.s32 $0xFFFFFFFF  }
0x23: {  	s27 =	simm.s32 $execute0_lowered;
	[smem:$0x3FD2] =	sst s26  }
0x24: {  	s5 =	sshll.u32 s27, $0x1;
	_ =	strace $0x80000049;
	[dreg:$0x1] =	wrdreg $0xFFFFFFFF  }
0x25: {  	s28 =	simm.s32 $_size_execute0_lowered;
	s3 =	sadd.s32 s3, s5;
	[dreg:$0x0] =	wrdreg $0x0  }
0x26: {  	s5 =	sshll.u32 s28, $0x1;
	[dreg:$0x2] =	wrdreg s3  }
0x27: {  	[dreg:$0x3] =	wrdreg s5  }
0x28: {  	[dreg:$0x4] =	wrdreg $0xC0  }
0x29: {  	_ =	task [dreg:s7], $0x5FFFF  }
0x2a: {  	[dreg:$0x1] =	wrdreg $0xFFFFFFFF  }
0x2b: {  	[dreg:$0x0] =	wrdreg $0x60  }
0x2c: {  	[dreg:$0x2] =	wrdreg s25  }
0x2d: {  	[dreg:$0x3] =	wrdreg s17  }
0x2e: {  	[dreg:$0x4] =	wrdreg $0x9  }
0x2f: {  	_ =	task.clear_ibuf [dreg:s7], $0x5FFFF;
	_ =	strace $0x90000049  }
0x30: {  	s29 =	simm.s32 $0x9;
	_ =	strace $0x8000004B  }
0x31: {  	_ =	swait.ge [sflag:s29], $0x1  }
0x32: {  	[sflag:s29] =	ssyncadd.s32 $0xFFFFFFFF  }
0x33: {  	_ =	strace $0x9000004B  }
0x34: {  	_ =	sfence  }
0x35: {  	s30 =	sld [smem:$0x0];
	_ =	sdelay $0x2  }
0x36: {  	s31 =	sshll.u32 s1, $0xD;
	s1 =	sshrl.u32 s1, $0x2  }
0x37: {  	s3 =	sand.u32 $0x4000, s31;
	s1 =	sadd.s32 s1, s30  }
0x38: {  	s0 =	sor.u32 s3, s0;
	s1 =	sshll.u32 s1, $0x11  }
0x39: {  	s0 =	sor.u32 s1, s0  }
0x3a: {  	s0 =	sadd.s32 $0x8F2B, s0  }
0x3b: {  	[sflag:s0] =	ssyncadd.remote.s32 $0x1  }
0x3c: {  	_ =	sfence.sel $0xFFFF  }
0x3d: {  	[dreg:$0x0] =	wrdreg $0xFFFFFFFF;
	(pc) =	sbr.abs _section_cstart, $3  }
0x3e: {  	[dreg:$0x1] =	wrdreg $0xFFFFFFFF  }
0x3f: {  	_ =	task.clear_ibuf [dreg:s7], $0x2FFFF;
	_ =	strace $0x9FFFFFFF  }
0x40: {  	(tm) =	ssettm $0x7FFFFFFF  }
0x41: {  	_ =	shalt  }
tec
execute0_lowered:
.L_overlay_start_1:
0x0: {  	(tag) =	ssettag $0x1  }
0x1: {  	s0 =	srdreg.scid  }
0x2: {  	s1 =	sshll.u32 s0, $0x4  }
0x3: {  	s0 =	stileid.u32;
	s1 =	sand.u32 $0x10, s1  }
0x4: {  	s1 =	sor.u32 s0, s1  }
0x5: {  	s6 =	rddreg [dreg:$0x0];
	s4 =	simm.s32 $0x1;
	s2 =	sshll.u32 s1, $0x7  }
0x6: {  	s7 =	simm.s32 $0x2;
	s12 =	simm.s32 $0x0;
	s1 =	ssub.s32 $0x1000, s2  }
0x7: {  	s8 =	simm.s32 $0x8000;
	s13 =	simm.s32 $0x0;
	s3 =	sand.u32 $0xF80, s1  }
0x8: {  	s9 =	simm.s32 $0x0;
	s5 =	sshrl.u32 s1, $0xC;
	p0 =	sne.s32 s3, $0x0  }
.Ltmp0:
0x9: {  	s1 =	rddreg [dreg:$0x2];
	s4 =	simm.s32 @!p0 $0x0;
	(pc) =	sbr.rel .LBB1_1-.Ltmp0, $4  }
0xa: {  	s11 =	simm.s32 $0x0;
	s3 =	rddreg [dreg:$0x1];
	s5 =	sadd.s32 s4, s5  }
0xb: {  	_ =	strace $0x8000004A;
	s4 =	simm.s32 $0x1;
	s5 =	smul.u32 $0xC8, s5  }
0xc: {  	s6 =	sadd.s32 $0xF63400, s6;
	s10 =	smov.u32 s2;
	[sflag:s4] =	ssyncpa.u1 $0x0  }
0xd: {  	p0 =	por $0x0, $0x0;
	[sflag:s7] =	ssyncpa.u1 $0x0;
	s7 =	sor.u32 $0x1, s5  }
.LBB1_4:
0xe: {  	s16 =	sshll.u32 s13, $0x3;
	s17 =	sand.u32 $0x78, s13  }
0xf: {  	s30 =	sand.u32 $0x7E00, s13;
	s12 =	sshll.u32 s12, $0xF;
	s16 =	sand.u32 $0xC00, s16  }
0x10: {  	[tilespmem:s15+$0x810 ss:$0x81] =	vst.msk $0xffff, v2;
	s31 =	sand.u32 $0x7, s13;
	s16 =	sor.u32 s17, s16;
	s17 =	sadd.s32 s3, s30  }
0x11: {  	[tilespmem:s15+$0x1020 ss:$0x81] =	vst.msk $0xffff, v0;
	s13 =	sshll.u32 s31, $0x12;
	s12 =	sadd.s32 s12, s17;
	s16 =	sshrl.u32 s16, $0x3  }
0x12: {  	[tilespmem:s15+$0x0 ss:$0x81] =	vst.msk $0xffff, v1;
	s13 =	sor.u32 $0x400, s13;
	s12 =	sadd.s32 s16, s12  }
0x13: {  	[hbm4b:s12+s13] =	stream.strided.scatter [tilespmem:s14], [sflag:$0x2], $0x2000, s8, s13, $0x20;
	[tilespmem:$0x8080] =	vst v63  }
.LBB1_5:
0x14: {  	s14 =	sadd.s32 $0x1, s9  }
0x15: {  	s12 =	sadd.s32 $0x1000, s10;
	s16 =	smov.u32 s10;
	p2 =	sgt.s32 s14, $0xC7  }
0x16: {  	s16 =	smov.u32 @p2 s12  }
0x17: {  	s14 =	simm.s32 @p2 $0x0;
	p2 =	sgt.s32 s16, $0xFFF  }
0x18: {  	s16 =	smov.u32 @p2 s2;
	p2 =	sne.s32 s11, s7  }
.Ltmp1:
0x19: {  	p1 =	slt.u32 s11, $0x2;
	(pc) =	sbr.rel @!p2 .LBB1_6-.Ltmp1, $4  }
0x1a: {  	s15 =	simm.s32 @!p1 $0x2  }
0x1b: {  	s13 =	smov.u32 s10;
	p0 =	por !p0, !p0;
	_ =	swait.ge @!p1 [sflag:s15], $0x2000  }
0x1c: {  	s12 =	smov.u32 s9;
	[sflag:s15] =	ssyncset.done @!p1 $0x0;
	s9 =	smov.u32 s14  }
0x1d: {  	s11 =	sadd.s32 $0x1, s11;
	[sflag:s15] =	ssyncadd.s32 @!p1 $0xFFFFE000;
	s10 =	smov.u32 s16  }
.LBB1_1:
0x1e: {  	p1 =	sge.u32 s11, s5  }
0x1f: {  	s14 =	sand.u32 @!p1 $0x1FFFFFF, s9  }
0x20: {  	s15 =	smulhi.u32 @!p1 $0x147AE15, s14;
	_ =	sdelay $0x1  }
0x21: {  	s15 =	smul.u32 @!p1 $0xC8, s15  }
0x22: {  	s16 =	sxor.u32 @!p1 $0xFFFFFFFF, s11;
	s17 =	smul.u32 @!p1 $0xC80, s10  }
0x23: {  	s31 =	sadd.s32 $0xFFFFFFFF, s11;
	s16 =	sshll.u32 @!p1 s16, $0xD;
	s14 =	ssub.s32 @!p1 s14, s15  }
0x24: {  	s15 =	sand.u32 @!p1 $0x2000, s16;
	s16 =	sadd.s32 @!p1 s6, s17;
	s14 =	sshll.u32 @!p1 s14, $0x4  }
0x25: {  	s17 =	simm.s32 @!p1 $0x6400;
	s14 =	sadd.s32 @!p1 s14, s16;
	s16 =	simm.s32 @!p1 $0x40  }
0x26: {  	[tilespmem:s15], [sflag:$0x1] =	stream.strided.gather @!p1 [hbm4b:s14+s16], $0x2000, s17, s16, $0x38;
	[tilespmem:$0x8080] =	vst v63  }
0x27: {  	p1 =	sge.u32 s31, s5  }
.Ltmp2:
0x28: {  	_ = 	snop;
	(pc) =	sbr.rel @p1 .LBB1_5-.Ltmp2, $1  }
0x29: {  	_ =	sdelay $0x3  }
0x2a: {  	s14 =	simm.s32 $0x1  }
0x2b: {  	_ =	swait.ge [sflag:s4], $0x2000;
	s14 =	simm.s32 @!p0 $0x0  }
0x2c: {  	[sflag:s4] =	ssyncset.done $0x0;
	s15 =	sshll.u32 s14, $0xD  }
0x2d: {  	[sflag:s4] =	ssyncadd.s32 $0xFFFFE000;
	s18 =	sor.u32 $0x20, s15  }
0x2e: {  	s14 =	smul.u32 $0x8100, s14;
	v3 =	vld [tilespmem:s18+$0x10]  }
0x2f: {  	s30 =	sand.u32 $0x1, s11;
	v2 =	vld [tilespmem:s18+$0xFFFFFFF0]  }
0x30: {  	s15 =	smul.u32 $0x8100, s30;
	s14 =	sshrl.u32 s14, $0x2;
	v0 =	vld [tilespmem:s18+$0x0]  }
0x31: {  	v1 =	vld [tilespmem:s18+$0xFFFFFFE0];
	s16 =	sor.u32 $0x4000, s14  }
0x32: {  	s31 =	sshrl.u32 s15, $0x2;
	s15 =	sadd.s32 $0x0, s16  }
0x33: {  	s17 =	simm.s32 $0x4;
	s18 =	sadd.s32 $0x40, s18;
	s14 =	sor.u32 $0x4000, s31;
	[tilespmem:s15+$0x1830 ss:$0x81] =	vst.msk $0xffff, v3  }
.LBB1_3:
0x34: {  	v3 =	vld [tilespmem:s18+$0x10];
	p1 =	sne.s32 s17, $0x1FC;
	[tilespmem:s15+$0x810 ss:$0x81] =	vst.msk $0xffff, v2;
	s19 =	smov.u32 s17;
	s17 =	sadd.s32 $0x4, s17  }
.Ltmp3:
0x35: {  	v2 =	vld [tilespmem:s18+$0xFFFFFFF0];
	[tilespmem:s15+$0x1020 ss:$0x81] =	vst.msk $0xffff, v0;
	(pc) =	sbr.rel @p1 .LBB1_3-.Ltmp3, $4  }
0x36: {  	v0 =	vld [tilespmem:s18+$0x0];
	[tilespmem:s15+$0x0 ss:$0x81] =	vst.msk $0xffff, v1  }
0x37: {  	s15 =	sshra.s32 s19, $0x2;
	v1 =	vld [tilespmem:s18+$0xFFFFFFE0]  }
0x38: {  	s15 =	sadd.s32 s15, s16  }
0x39: {  	s18 =	sadd.s32 $0x40, s18;
	[tilespmem:s15+$0x1830 ss:$0x81] =	vst.msk $0xffff, v3  }
.Ltmp4:
0x3a: {  	_ = 	snop;
	(pc) =	sbr.rel .LBB1_4-.Ltmp4, $1  }
0x3b: {  	_ =	sdelay $0x3  }
.LBB1_6:
0x3c: {  	_ =	sfence.sel $0x180000  }
0x3d: {  	s2 =	simm.s32 $0x1;
	[bflag:$0x0] =	sbarrier.arrive $0xFFFF  }
0x3e: {  	s31 =	simm.s32 $0x2;
	[sflag:s2] =	ssyncpa.u1 $0x1  }
0x3f: {  	[sflag:s31] =	ssyncpa.u1 $0x1  }
0x40: {  	p0 =	sne.s32 s0, $0x0;
	_ =	strace $0x9000004A  }
0x41: {  	s0 =	sadd.s32 @!p0 $0x100000, s1;
	[bflag:$0x2] =	sbarrier.arrive $0xFFFF  }
0x42: {  	[sflag:s0] =	ssyncadd.tile.s32 @!p0 $0x1;
	_ =	shalt  }
.Lfunc_end1:
_tile_overlayer_lowered:
.L_overlay_start_2:
0x43: {  	(tag) =	ssettag $0x2  }
0x44: {  	s0 =	rddreg [dreg:$0x0];
	s2 =	stileid.u32  }
0x45: {  	s1 =	rddreg [dreg:$0x1];
	p0 =	sne.s32 s2, $0x0  }
0x46: {  	s3 =	rddreg [dreg:$0x2];
	[bflag:$0x3] =	sbarrier.arrive $0xFFFF;
	s2 =	simm.s32 @!p0 $0x1C01  }
0x47: {  	[timem:s3], [sflag:s2] =	dma.local @!p0 [hbm:s0], s1  }
0x48: {  	s0 =	simm.s32 @!p0 $0x1  }
0x49: {  	_ =	swait.ge @!p0 [sflag:s0], s1  }
0x4a: {  	s1 =	ssub.s32 @!p0 $0x0, s1;
	[sflag:s0] =	ssyncset.done @!p0 $0x0  }
0x4b: {  	[sflag:s0] =	ssyncadd.s32 @!p0 s1  }
0x4c: {  	[bflag:$0x3] =	sbarrier.arrive $0xFFFF  }
0x4d: {  	_ =	shalt  }

</sc_bundles>
